<compile_context>
chip_gen: v7x
topology: tpu7x:2x2x1
jax: 0.10.2.dev20260603
libtpu: 0.0.44.dev20260713+nightly
codegen_flags: <defaults>
</compile_context>

<pallas_src>
import jax
import jax.numpy as jnp
from jax import lax
from jax.experimental import pallas as pl
from jax.experimental.pallas import tpu as pltpu
from jax.experimental.pallas import tpu_sc as plsc

N_EMBD = 1024
NUM_CORES = 2
NUM_SUBCORES = 16
NUM_WORKERS = NUM_CORES * NUM_SUBCORES
CHUNK = 16
NBUF = 4


DEPTH = 2


def _emb_body(table_hbm, idx_hbm, out_hbm, idx_v, bufs, *sems):
    nchunk = idx_hbm.shape[1]
    gsems, ssems = sems[:NBUF], sems[NBUF:]
    wid = lax.axis_index("s") * NUM_CORES + lax.axis_index("c")
    base = wid * (nchunk * CHUNK)

    def out_slice(cur):
        return out_hbm.at[pl.ds(base + cur * CHUNK, CHUNK)]

    idx_rows = idx_v

    def gather(j, bj):
        pltpu.async_copy(table_hbm.at[idx_rows.at[j]], bufs.at[bj], gsems[bj])

    pltpu.sync_copy(idx_hbm.at[wid], idx_v)

    for j in range(DEPTH):
        gather(j, j % NBUF)

    def outer(g):
        for b in range(NBUF):
            cur = g * NBUF + b
            j = cur + DEPTH
            bj = (b + DEPTH) % NBUF

            @pl.when(j < nchunk)
            def _():
                @pl.when(j >= NBUF)
                def _():
                    pltpu.make_async_copy(
                        bufs.at[bj], out_slice(j - NBUF), ssems[bj]
                    ).wait()

                gather(j, bj)

            pltpu.make_async_copy(
                table_hbm.at[idx_rows.at[cur]], bufs.at[b], gsems[b]
            ).wait()
            pltpu.async_copy(bufs.at[b], out_slice(cur), ssems[b])

    pl.loop(0, nchunk // NBUF)(outer)

    for i in range(NBUF):
        c = nchunk - NBUF + i
        pltpu.make_async_copy(bufs.at[c % NBUF], out_slice(c), ssems[c % NBUF]).wait()


def _copy_body(src_ref, dst_ref):
    dst_ref[...] = src_ref[...]


def _tc_copy(x, blk=1024):
    rows, cols = x.shape
    return pl.pallas_call(
        _copy_body,
        grid=(rows // blk,),
        in_specs=[pl.BlockSpec((blk, cols), lambda i: (i, 0))],
        out_specs=pl.BlockSpec((blk, cols), lambda i: (i, 0)),
        out_shape=jax.ShapeDtypeStruct((rows, cols), x.dtype),
    )(x)


def _sc_embedding_lookup(emb_table, idx):
    n_ids = idx.size
    nchunk = idx.shape[1]
    grid_kernel = pl.kernel(
        _emb_body,
        out_type=jax.ShapeDtypeStruct((n_ids, N_EMBD), jnp.float32),
        mesh=plsc.VectorSubcoreMesh(
            core_axis_name="c",
            subcore_axis_name="s",
            num_cores=NUM_CORES,
            num_subcores=NUM_SUBCORES,
        ),
        scratch_types=[
            pltpu.VMEM((nchunk, CHUNK), jnp.int32),
            pltpu.VMEM((NBUF, CHUNK, N_EMBD), jnp.float32),
        ] + [pltpu.SemaphoreType.DMA] * (2 * NBUF),
    )
    return grid_kernel(emb_table, idx)


def kernel(token_ids, encoder_context, emb_table):
    batch, seq_len = token_ids.shape
    n_ids = batch * seq_len
    nchunk = n_ids // (NUM_WORKERS * CHUNK)
    idx = token_ids.astype(jnp.int32).reshape(NUM_WORKERS, nchunk, CHUNK)
    flat = _sc_embedding_lookup(emb_table, idx)
    ctx = _tc_copy(encoder_context.reshape(n_ids, N_EMBD))
    return (flat.reshape(batch, seq_len, N_EMBD), ctx.reshape(batch, seq_len, N_EMBD))

# --- scband reference (transcript-rebuilt; emitter-appended) ---
"""Pipeline reference for scband-token-embedding-layer-65687229825092 (READ-ONLY COPY).

The authoritative reference and input builder live on the scoring server;
editing this copy changes nothing except your own understanding.
"""

import jax, jax.numpy as jnp
import numpy as np

VOCAB_SIZE = 100000
N_EMBD = 1024
BATCH = 4
SEQ_LEN = 8192


def setup_inputs(seed: int = 0) -> dict:
    key = jax.random.key(seed)
    k1, k2, k3 = jax.random.split(key, 3)
    token_ids = jax.random.randint(k1, (BATCH, SEQ_LEN), 0, VOCAB_SIZE, dtype=jnp.int64 if jax.config.jax_enable_x64 else jnp.int32)
    encoder_context = jax.random.normal(k2, (BATCH, SEQ_LEN, N_EMBD), dtype=jnp.float32)
    # Learned parameter: embedding table, init like nn.Embedding (N(0,1))
    emb_table = jax.random.normal(k3, (VOCAB_SIZE, N_EMBD), dtype=jnp.float32)
    return {"token_ids": token_ids, "encoder_context": encoder_context, "emb_table": emb_table}


def reference(token_ids, encoder_context, emb_table):
    # token_ids are cast to integer type (already int); embedding lookup = row gather
    embeddings = jnp.take(emb_table, token_ids, axis=0)
    return (embeddings, encoder_context)

if __name__ == "__main__":
    import jax
    _d = setup_inputs()
    print(jax.jit(kernel)(*tuple(_d.values())))

</pallas_src>

<mosaic_0001>
#map = affine_map<(d0, d1) -> (0, 0)>
#map1 = affine_map<(d0, d1) -> (0, 0, 0)>
module attributes {stable_mosaic.version = 14 : i64} {
  func.func @_emb_body(%arg0: i32, %arg1: i32, %arg2: memref<100000x1024xf32, #tpu.memory_space<hbm>>, %arg3: memref<32x64x16xi32, #tpu.memory_space<hbm>>, %arg4: memref<32768x1024xf32, #tpu.memory_space<hbm>>, %arg5: memref<64x16xi32, #tpu.memory_space<vmem>>, %arg6: memref<4x16x1024xf32, #tpu.memory_space<vmem>>, %arg7: memref<!tpu.dma_semaphore, #tpu.memory_space<semaphore_mem>>, %arg8: memref<!tpu.dma_semaphore, #tpu.memory_space<semaphore_mem>>, %arg9: memref<!tpu.dma_semaphore, #tpu.memory_space<semaphore_mem>>, %arg10: memref<!tpu.dma_semaphore, #tpu.memory_space<semaphore_mem>>, %arg11: memref<!tpu.dma_semaphore, #tpu.memory_space<semaphore_mem>>, %arg12: memref<!tpu.dma_semaphore, #tpu.memory_space<semaphore_mem>>, %arg13: memref<!tpu.dma_semaphore, #tpu.memory_space<semaphore_mem>>, %arg14: memref<!tpu.dma_semaphore, #tpu.memory_space<semaphore_mem>>) attributes {dimension_semantics = [#tpu.dimension_semantics<core_parallel>, #tpu.dimension_semantics<subcore_parallel>], iteration_bounds = array<i64: 2, 16>, scalar_prefetch = 0 : i64, scratch_operands = 10 : i64, tpu.core_type = #tpu.core_type<sc_vector_subcore>, window_params = [{transform_indices = #map}, {transform_indices = #map1}, {transform_indices = #map}]} {
    %mul3A = arith.constant 2 : i32
    %mul3A_0 = arith.muli %arg1, %mul3A : i32
    %add3A = arith.addi %mul3A_0, %arg0 : i32
    %mul3A_1 = arith.constant 1024 : i32
    %mul3A_2 = arith.muli %add3A, %mul3A_1 : i32
    "tpu.region"() ({
      %run_scoped3A = tpu.sem_alloc : memref<!tpu.dma_semaphore, #tpu.memory_space<semaphore_mem>>
      %dma_start3A_89 = arith.constant 0 : i32
      %dma_start3A_90 = arith.constant 0 : i32
      %dma_start3A_91 = tpu.memref_slice %arg3[%add3A, %dma_start3A_89, %dma_start3A_90] : memref<32x64x16xi32, #tpu.memory_space<hbm>> -> memref<1x64x16xi32, #tpu.memory_space<hbm>>
      %dma_start3A_92 = tpu.memref_squeeze %dma_start3A_91 : memref<1x64x16xi32, #tpu.memory_space<hbm>> -> memref<64x16xi32, #tpu.memory_space<hbm>>
      %dma_start3A_93 = arith.constant 0 : i32
      %dma_start3A_94 = arith.constant 0 : i32
      %dma_start3A_95 = tpu.memref_slice %arg3[%add3A, %dma_start3A_93, %dma_start3A_94] : memref<32x64x16xi32, #tpu.memory_space<hbm>> -> memref<1x64x16xi32, #tpu.memory_space<hbm>>
      %dma_start3A_96 = tpu.memref_squeeze %dma_start3A_95 : memref<1x64x16xi32, #tpu.memory_space<hbm>> -> memref<64x16xi32, #tpu.memory_space<hbm>>
      tpu.enqueue_dma source(%dma_start3A_96 : memref<64x16xi32, #tpu.memory_space<hbm>>) target(%arg5 : memref<64x16xi32, #tpu.memory_space<vmem>>) target_semaphore(%run_scoped3A : memref<!tpu.dma_semaphore, #tpu.memory_space<semaphore_mem>>)
      %dma_wait3A_97 = arith.constant 0 : i32
      %dma_wait3A_98 = arith.constant 0 : i32
      %dma_wait3A_99 = tpu.memref_slice %arg3[%add3A, %dma_wait3A_97, %dma_wait3A_98] : memref<32x64x16xi32, #tpu.memory_space<hbm>> -> memref<1x64x16xi32, #tpu.memory_space<hbm>>
      %dma_wait3A_100 = tpu.memref_squeeze %dma_wait3A_99 : memref<1x64x16xi32, #tpu.memory_space<hbm>> -> memref<64x16xi32, #tpu.memory_space<hbm>>
      %dma_wait3A_101 = arith.constant 0 : i32
      %dma_wait3A_102 = arith.constant 0 : i32
      %dma_wait3A_103 = tpu.memref_slice %arg3[%add3A, %dma_wait3A_101, %dma_wait3A_102] : memref<32x64x16xi32, #tpu.memory_space<hbm>> -> memref<1x64x16xi32, #tpu.memory_space<hbm>>
      %dma_wait3A_104 = tpu.memref_squeeze %dma_wait3A_103 : memref<1x64x16xi32, #tpu.memory_space<hbm>> -> memref<64x16xi32, #tpu.memory_space<hbm>>
      tpu.wait_dma2 semaphore(%run_scoped3A : memref<!tpu.dma_semaphore, #tpu.memory_space<semaphore_mem>>) src(%dma_wait3A_104 : memref<64x16xi32, #tpu.memory_space<hbm>>) dst(%arg5 : memref<64x16xi32, #tpu.memory_space<vmem>>)
      tpu.yield
    }) : () -> ()
    %dma_start3A = arith.constant 0 : i32
    %dma_start3A_3 = arith.constant 0 : i32
    %dma_start3A_4 = arith.constant 0 : i32
    %dma_start3A_5 = arith.constant 0 : i32
    %dma_start3A_6 = tpu.memref_slice %arg6[%dma_start3A_3, %dma_start3A_4, %dma_start3A_5] : memref<4x16x1024xf32, #tpu.memory_space<vmem>> -> memref<1x16x1024xf32, #tpu.memory_space<vmem>>
    %dma_start3A_7 = tpu.memref_squeeze %dma_start3A_6 : memref<1x16x1024xf32, #tpu.memory_space<vmem>> -> memref<16x1024xf32, #tpu.memory_space<vmem>>
    %dma_start3A_8 = arith.constant 0 : i32
    %dma_start3A_9 = tpu.memref_slice %arg5[%dma_start3A, %dma_start3A_8] : memref<64x16xi32, #tpu.memory_space<vmem>> -> memref<1x16xi32, #tpu.memory_space<vmem>>
    %dma_start3A_10 = tpu.memref_squeeze %dma_start3A_9 : memref<1x16xi32, #tpu.memory_space<vmem>> -> memref<16xi32, #tpu.memory_space<vmem>>
    %dma_start3A_11 = arith.constant 0 : i32
    %dma_start3A_12 = arith.constant 0 : i32
    %dma_start3A_13 = tpu.memref_slice %arg2[%dma_start3A_11, %dma_start3A_12] : memref<100000x1024xf32, #tpu.memory_space<hbm>> -> memref<100000x1024xf32, #tpu.memory_space<hbm>>
    tpu.enqueue_indirect_dma source(%dma_start3A_13 : memref<100000x1024xf32, #tpu.memory_space<hbm>>) target(%dma_start3A_7 : memref<16x1024xf32, #tpu.memory_space<vmem>>) offsets(%dma_start3A_10 : memref<16xi32, #tpu.memory_space<vmem>>) semaphore(%arg7 : memref<!tpu.dma_semaphore, #tpu.memory_space<semaphore_mem>>)
    %dma_start3A_14 = arith.constant 1 : i32
    %dma_start3A_15 = arith.constant 1 : i32
    %dma_start3A_16 = arith.constant 0 : i32
    %dma_start3A_17 = arith.constant 0 : i32
    %dma_start3A_18 = tpu.memref_slice %arg6[%dma_start3A_15, %dma_start3A_16, %dma_start3A_17] : memref<4x16x1024xf32, #tpu.memory_space<vmem>> -> memref<1x16x1024xf32, #tpu.memory_space<vmem>>
    %dma_start3A_19 = tpu.memref_squeeze %dma_start3A_18 : memref<1x16x1024xf32, #tpu.memory_space<vmem>> -> memref<16x1024xf32, #tpu.memory_space<vmem>>
    %dma_start3A_20 = arith.constant 0 : i32
    %dma_start3A_21 = tpu.memref_slice %arg5[%dma_start3A_14, %dma_start3A_20] : memref<64x16xi32, #tpu.memory_space<vmem>> -> memref<1x16xi32, #tpu.memory_space<vmem>>
    %dma_start3A_22 = tpu.memref_squeeze %dma_start3A_21 : memref<1x16xi32, #tpu.memory_space<vmem>> -> memref<16xi32, #tpu.memory_space<vmem>>
    %dma_start3A_23 = arith.constant 0 : i32
    %dma_start3A_24 = arith.constant 0 : i32
    %dma_start3A_25 = tpu.memref_slice %arg2[%dma_start3A_23, %dma_start3A_24] : memref<100000x1024xf32, #tpu.memory_space<hbm>> -> memref<100000x1024xf32, #tpu.memory_space<hbm>>
    tpu.enqueue_indirect_dma source(%dma_start3A_25 : memref<100000x1024xf32, #tpu.memory_space<hbm>>) target(%dma_start3A_19 : memref<16x1024xf32, #tpu.memory_space<vmem>>) offsets(%dma_start3A_22 : memref<16xi32, #tpu.memory_space<vmem>>) semaphore(%arg8 : memref<!tpu.dma_semaphore, #tpu.memory_space<semaphore_mem>>)
    %scan3A = arith.constant 0 : i32
    %scan3A_26 = arith.constant 16 : i32
    %scan3A_27 = arith.addi %scan3A, %scan3A_26 : i32
    %scan3A_28 = arith.constant 1 : i32
    scf.for %scan3A_89 = %scan3A to %scan3A_27 step %scan3A_28  : i32 {
      %mul3A_90 = arith.constant 1 : i32
      %mul3A_91 = arith.muli %scan3A_89, %mul3A_90 : i32
      %add3A_92 = arith.constant 0 : i32
      %add3A_93 = arith.addi %add3A_92, %mul3A_91 : i32
      %mul3A_94 = arith.constant 4 : i32
      %mul3A_95 = arith.muli %add3A_93, %mul3A_94 : i32
      %add3A_96 = arith.constant 0 : i32
      %add3A_97 = arith.addi %mul3A_95, %add3A_96 : i32
      %add3A_98 = arith.constant 2 : i32
      %add3A_99 = arith.addi %add3A_97, %add3A_98 : i32
      %lt3A = arith.constant 64 : i32
      %lt3A_100 = arith.cmpi slt, %add3A_99, %lt3A : i32
      %convert_element_type3A = arith.extui %lt3A_100 : i1 to i32
      %cond3A = arith.constant 0 : i32
      %cond3A_101 = arith.cmpi ne, %convert_element_type3A, %cond3A : i32
      scf.if %cond3A_101 {
        %ge3A = arith.constant 4 : i32
        %ge3A_243 = arith.cmpi sge, %add3A_99, %ge3A : i32
        %convert_element_type3A_244 = arith.extui %ge3A_243 : i1 to i32
        %cond3A_245 = arith.constant 0 : i32
        %cond3A_246 = arith.cmpi ne, %convert_element_type3A_244, %cond3A_245 : i32
        scf.if %cond3A_246 {
          %sub3A = arith.constant 4 : i32
          %sub3A_258 = arith.subi %add3A_99, %sub3A : i32
          %mul3A_259 = arith.constant 16 : i32
          %mul3A_260 = arith.muli %sub3A_258, %mul3A_259 : i32
          %add3A_261 = arith.addi %mul3A_2, %mul3A_260 : i32
          %dma_wait3A_262 = arith.constant 2 : i32
          %dma_wait3A_263 = arith.constant 0 : i32
          %dma_wait3A_264 = arith.constant 0 : i32
          %dma_wait3A_265 = tpu.memref_slice %arg6[%dma_wait3A_262, %dma_wait3A_263, %dma_wait3A_264] : memref<4x16x1024xf32, #tpu.memory_space<vmem>> -> memref<1x16x1024xf32, #tpu.memory_space<vmem>>
          %dma_wait3A_266 = tpu.memref_squeeze %dma_wait3A_265 : memref<1x16x1024xf32, #tpu.memory_space<vmem>> -> memref<16x1024xf32, #tpu.memory_space<vmem>>
          %dma_wait3A_267 = arith.constant 0 : i32
          %dma_wait3A_268 = tpu.memref_slice %arg4[%add3A_261, %dma_wait3A_267] : memref<32768x1024xf32, #tpu.memory_space<hbm>> -> memref<16x1024xf32, #tpu.memory_space<hbm>>
          %dma_wait3A_269 = arith.constant 0 : i32
          %dma_wait3A_270 = tpu.memref_slice %arg4[%add3A_261, %dma_wait3A_269] : memref<32768x1024xf32, #tpu.memory_space<hbm>> -> memref<16x1024xf32, #tpu.memory_space<hbm>>
          %dma_wait3A_271 = arith.constant 0 : i32
          %dma_wait3A_272 = arith.constant 0 : i32
          %dma_wait3A_273 = tpu.memref_slice %arg6[%dma_wait3A_262, %dma_wait3A_271, %dma_wait3A_272] : memref<4x16x1024xf32, #tpu.memory_space<vmem>> -> memref<1x16x1024xf32, #tpu.memory_space<vmem>>
          %dma_wait3A_274 = tpu.memref_squeeze %dma_wait3A_273 : memref<1x16x1024xf32, #tpu.memory_space<vmem>> -> memref<16x1024xf32, #tpu.memory_space<vmem>>
          tpu.wait_dma2 semaphore(%arg13 : memref<!tpu.dma_semaphore, #tpu.memory_space<semaphore_mem>>) src(%dma_wait3A_274 : memref<16x1024xf32, #tpu.memory_space<vmem>>) dst(%dma_wait3A_270 : memref<16x1024xf32, #tpu.memory_space<hbm>>)
        } else {
        }
        %dma_start3A_247 = arith.constant 2 : i32
        %dma_start3A_248 = arith.constant 0 : i32
        %dma_start3A_249 = arith.constant 0 : i32
        %dma_start3A_250 = tpu.memref_slice %arg6[%dma_start3A_247, %dma_start3A_248, %dma_start3A_249] : memref<4x16x1024xf32, #tpu.memory_space<vmem>> -> memref<1x16x1024xf32, #tpu.memory_space<vmem>>
        %dma_start3A_251 = tpu.memref_squeeze %dma_start3A_250 : memref<1x16x1024xf32, #tpu.memory_space<vmem>> -> memref<16x1024xf32, #tpu.memory_space<vmem>>
        %dma_start3A_252 = arith.constant 0 : i32
        %dma_start3A_253 = tpu.memref_slice %arg5[%add3A_99, %dma_start3A_252] : memref<64x16xi32, #tpu.memory_space<vmem>> -> memref<1x16xi32, #tpu.memory_space<vmem>>
        %dma_start3A_254 = tpu.memref_squeeze %dma_start3A_253 : memref<1x16xi32, #tpu.memory_space<vmem>> -> memref<16xi32, #tpu.memory_space<vmem>>
        %dma_start3A_255 = arith.constant 0 : i32
        %dma_start3A_256 = arith.constant 0 : i32
        %dma_start3A_257 = tpu.memref_slice %arg2[%dma_start3A_255, %dma_start3A_256] : memref<100000x1024xf32, #tpu.memory_space<hbm>> -> memref<100000x1024xf32, #tpu.memory_space<hbm>>
        tpu.enqueue_indirect_dma source(%dma_start3A_257 : memref<100000x1024xf32, #tpu.memory_space<hbm>>) target(%dma_start3A_251 : memref<16x1024xf32, #tpu.memory_space<vmem>>) offsets(%dma_start3A_254 : memref<16xi32, #tpu.memory_space<vmem>>) semaphore(%arg9 : memref<!tpu.dma_semaphore, #tpu.memory_space<semaphore_mem>>)
      } else {
      }
      %dma_wait3A_102 = arith.constant 0 : i32
      %dma_wait3A_103 = arith.constant 0 : i32
      %dma_wait3A_104 = arith.constant 0 : i32
      %dma_wait3A_105 = tpu.memref_slice %arg6[%dma_wait3A_102, %dma_wait3A_103, %dma_wait3A_104] : memref<4x16x1024xf32, #tpu.memory_space<vmem>> -> memref<1x16x1024xf32, #tpu.memory_space<vmem>>
      %dma_wait3A_106 = tpu.memref_squeeze %dma_wait3A_105 : memref<1x16x1024xf32, #tpu.memory_space<vmem>> -> memref<16x1024xf32, #tpu.memory_space<vmem>>
      %dma_wait3A_107 = arith.constant 0 : i32
      %dma_wait3A_108 = tpu.memref_slice %arg5[%add3A_97, %dma_wait3A_107] : memref<64x16xi32, #tpu.memory_space<vmem>> -> memref<1x16xi32, #tpu.memory_space<vmem>>
      %dma_wait3A_109 = tpu.memref_squeeze %dma_wait3A_108 : memref<1x16xi32, #tpu.memory_space<vmem>> -> memref<16xi32, #tpu.memory_space<vmem>>
      %dma_wait3A_110 = arith.constant 0 : i32
      %dma_wait3A_111 = arith.constant 0 : i32
      %dma_wait3A_112 = tpu.memref_slice %arg2[%dma_wait3A_110, %dma_wait3A_111] : memref<100000x1024xf32, #tpu.memory_space<hbm>> -> memref<100000x1024xf32, #tpu.memory_space<hbm>>
      tpu.wait_indirect_dma semaphore(%arg7 : memref<!tpu.dma_semaphore, #tpu.memory_space<semaphore_mem>>) src(%dma_wait3A_112 : memref<100000x1024xf32, #tpu.memory_space<hbm>>) dst(%dma_wait3A_106 : memref<16x1024xf32, #tpu.memory_space<vmem>>)
      %mul3A_113 = arith.constant 16 : i32
      %mul3A_114 = arith.muli %add3A_97, %mul3A_113 : i32
      %add3A_115 = arith.addi %mul3A_2, %mul3A_114 : i32
      %dma_start3A_116 = arith.constant 0 : i32
      %dma_start3A_117 = arith.constant 0 : i32
      %dma_start3A_118 = arith.constant 0 : i32
      %dma_start3A_119 = tpu.memref_slice %arg6[%dma_start3A_116, %dma_start3A_117, %dma_start3A_118] : memref<4x16x1024xf32, #tpu.memory_space<vmem>> -> memref<1x16x1024xf32, #tpu.memory_space<vmem>>
      %dma_start3A_120 = tpu.memref_squeeze %dma_start3A_119 : memref<1x16x1024xf32, #tpu.memory_space<vmem>> -> memref<16x1024xf32, #tpu.memory_space<vmem>>
      %dma_start3A_121 = arith.constant 0 : i32
      %dma_start3A_122 = tpu.memref_slice %arg4[%add3A_115, %dma_start3A_121] : memref<32768x1024xf32, #tpu.memory_space<hbm>> -> memref<16x1024xf32, #tpu.memory_space<hbm>>
      %dma_start3A_123 = arith.constant 0 : i32
      %dma_start3A_124 = tpu.memref_slice %arg4[%add3A_115, %dma_start3A_123] : memref<32768x1024xf32, #tpu.memory_space<hbm>> -> memref<16x1024xf32, #tpu.memory_space<hbm>>
      %dma_start3A_125 = arith.constant 0 : i32
      %dma_start3A_126 = arith.constant 0 : i32
      %dma_start3A_127 = tpu.memref_slice %arg6[%dma_start3A_116, %dma_start3A_125, %dma_start3A_126] : memref<4x16x1024xf32, #tpu.memory_space<vmem>> -> memref<1x16x1024xf32, #tpu.memory_space<vmem>>
      %dma_start3A_128 = tpu.memref_squeeze %dma_start3A_127 : memref<1x16x1024xf32, #tpu.memory_space<vmem>> -> memref<16x1024xf32, #tpu.memory_space<vmem>>
      tpu.enqueue_dma source(%dma_start3A_128 : memref<16x1024xf32, #tpu.memory_space<vmem>>) target(%dma_start3A_124 : memref<16x1024xf32, #tpu.memory_space<hbm>>) target_semaphore(%arg11 : memref<!tpu.dma_semaphore, #tpu.memory_space<semaphore_mem>>)
      %mul3A_129 = arith.constant 4 : i32
      %mul3A_130 = arith.muli %add3A_93, %mul3A_129 : i32
      %add3A_131 = arith.constant 1 : i32
      %add3A_132 = arith.addi %mul3A_130, %add3A_131 : i32
      %add3A_133 = arith.constant 2 : i32
      %add3A_134 = arith.addi %add3A_132, %add3A_133 : i32
      %lt3A_135 = arith.constant 64 : i32
      %lt3A_136 = arith.cmpi slt, %add3A_134, %lt3A_135 : i32
      %convert_element_type3A_137 = arith.extui %lt3A_136 : i1 to i32
      %cond3A_138 = arith.constant 0 : i32
      %cond3A_139 = arith.cmpi ne, %convert_element_type3A_137, %cond3A_138 : i32
      scf.if %cond3A_139 {
        %ge3A = arith.constant 4 : i32
        %ge3A_243 = arith.cmpi sge, %add3A_134, %ge3A : i32
        %convert_element_type3A_244 = arith.extui %ge3A_243 : i1 to i32
        %cond3A_245 = arith.constant 0 : i32
        %cond3A_246 = arith.cmpi ne, %convert_element_type3A_244, %cond3A_245 : i32
        scf.if %cond3A_246 {
          %sub3A = arith.constant 4 : i32
          %sub3A_258 = arith.subi %add3A_134, %sub3A : i32
          %mul3A_259 = arith.constant 16 : i32
          %mul3A_260 = arith.muli %sub3A_258, %mul3A_259 : i32
          %add3A_261 = arith.addi %mul3A_2, %mul3A_260 : i32
          %dma_wait3A_262 = arith.constant 3 : i32
          %dma_wait3A_263 = arith.constant 0 : i32
          %dma_wait3A_264 = arith.constant 0 : i32
          %dma_wait3A_265 = tpu.memref_slice %arg6[%dma_wait3A_262, %dma_wait3A_263, %dma_wait3A_264] : memref<4x16x1024xf32, #tpu.memory_space<vmem>> -> memref<1x16x1024xf32, #tpu.memory_space<vmem>>
          %dma_wait3A_266 = tpu.memref_squeeze %dma_wait3A_265 : memref<1x16x1024xf32, #tpu.memory_space<vmem>> -> memref<16x1024xf32, #tpu.memory_space<vmem>>
          %dma_wait3A_267 = arith.constant 0 : i32
          %dma_wait3A_268 = tpu.memref_slice %arg4[%add3A_261, %dma_wait3A_267] : memref<32768x1024xf32, #tpu.memory_space<hbm>> -> memref<16x1024xf32, #tpu.memory_space<hbm>>
          %dma_wait3A_269 = arith.constant 0 : i32
          %dma_wait3A_270 = tpu.memref_slice %arg4[%add3A_261, %dma_wait3A_269] : memref<32768x1024xf32, #tpu.memory_space<hbm>> -> memref<16x1024xf32, #tpu.memory_space<hbm>>
          %dma_wait3A_271 = arith.constant 0 : i32
          %dma_wait3A_272 = arith.constant 0 : i32
          %dma_wait3A_273 = tpu.memref_slice %arg6[%dma_wait3A_262, %dma_wait3A_271, %dma_wait3A_272] : memref<4x16x1024xf32, #tpu.memory_space<vmem>> -> memref<1x16x1024xf32, #tpu.memory_space<vmem>>
          %dma_wait3A_274 = tpu.memref_squeeze %dma_wait3A_273 : memref<1x16x1024xf32, #tpu.memory_space<vmem>> -> memref<16x1024xf32, #tpu.memory_space<vmem>>
          tpu.wait_dma2 semaphore(%arg14 : memref<!tpu.dma_semaphore, #tpu.memory_space<semaphore_mem>>) src(%dma_wait3A_274 : memref<16x1024xf32, #tpu.memory_space<vmem>>) dst(%dma_wait3A_270 : memref<16x1024xf32, #tpu.memory_space<hbm>>)
        } else {
        }
        %dma_start3A_247 = arith.constant 3 : i32
        %dma_start3A_248 = arith.constant 0 : i32
        %dma_start3A_249 = arith.constant 0 : i32
        %dma_start3A_250 = tpu.memref_slice %arg6[%dma_start3A_247, %dma_start3A_248, %dma_start3A_249] : memref<4x16x1024xf32, #tpu.memory_space<vmem>> -> memref<1x16x1024xf32, #tpu.memory_space<vmem>>
        %dma_start3A_251 = tpu.memref_squeeze %dma_start3A_250 : memref<1x16x1024xf32, #tpu.memory_space<vmem>> -> memref<16x1024xf32, #tpu.memory_space<vmem>>
        %dma_start3A_252 = arith.constant 0 : i32
        %dma_start3A_253 = tpu.memref_slice %arg5[%add3A_134, %dma_start3A_252] : memref<64x16xi32, #tpu.memory_space<vmem>> -> memref<1x16xi32, #tpu.memory_space<vmem>>
        %dma_start3A_254 = tpu.memref_squeeze %dma_start3A_253 : memref<1x16xi32, #tpu.memory_space<vmem>> -> memref<16xi32, #tpu.memory_space<vmem>>
        %dma_start3A_255 = arith.constant 0 : i32
        %dma_start3A_256 = arith.constant 0 : i32
        %dma_start3A_257 = tpu.memref_slice %arg2[%dma_start3A_255, %dma_start3A_256] : memref<100000x1024xf32, #tpu.memory_space<hbm>> -> memref<100000x1024xf32, #tpu.memory_space<hbm>>
        tpu.enqueue_indirect_dma source(%dma_start3A_257 : memref<100000x1024xf32, #tpu.memory_space<hbm>>) target(%dma_start3A_251 : memref<16x1024xf32, #tpu.memory_space<vmem>>) offsets(%dma_start3A_254 : memref<16xi32, #tpu.memory_space<vmem>>) semaphore(%arg10 : memref<!tpu.dma_semaphore, #tpu.memory_space<semaphore_mem>>)
      } else {
      }
      %dma_wait3A_140 = arith.constant 1 : i32
      %dma_wait3A_141 = arith.constant 0 : i32
      %dma_wait3A_142 = arith.constant 0 : i32
      %dma_wait3A_143 = tpu.memref_slice %arg6[%dma_wait3A_140, %dma_wait3A_141, %dma_wait3A_142] : memref<4x16x1024xf32, #tpu.memory_space<vmem>> -> memref<1x16x1024xf32, #tpu.memory_space<vmem>>
      %dma_wait3A_144 = tpu.memref_squeeze %dma_wait3A_143 : memref<1x16x1024xf32, #tpu.memory_space<vmem>> -> memref<16x1024xf32, #tpu.memory_space<vmem>>
      %dma_wait3A_145 = arith.constant 0 : i32
      %dma_wait3A_146 = tpu.memref_slice %arg5[%add3A_132, %dma_wait3A_145] : memref<64x16xi32, #tpu.memory_space<vmem>> -> memref<1x16xi32, #tpu.memory_space<vmem>>
      %dma_wait3A_147 = tpu.memref_squeeze %dma_wait3A_146 : memref<1x16xi32, #tpu.memory_space<vmem>> -> memref<16xi32, #tpu.memory_space<vmem>>
      %dma_wait3A_148 = arith.constant 0 : i32
      %dma_wait3A_149 = arith.constant 0 : i32
      %dma_wait3A_150 = tpu.memref_slice %arg2[%dma_wait3A_148, %dma_wait3A_149] : memref<100000x1024xf32, #tpu.memory_space<hbm>> -> memref<100000x1024xf32, #tpu.memory_space<hbm>>
      tpu.wait_indirect_dma semaphore(%arg8 : memref<!tpu.dma_semaphore, #tpu.memory_space<semaphore_mem>>) src(%dma_wait3A_150 : memref<100000x1024xf32, #tpu.memory_space<hbm>>) dst(%dma_wait3A_144 : memref<16x1024xf32, #tpu.memory_space<vmem>>)
      %mul3A_151 = arith.constant 16 : i32
      %mul3A_152 = arith.muli %add3A_132, %mul3A_151 : i32
      %add3A_153 = arith.addi %mul3A_2, %mul3A_152 : i32
      %dma_start3A_154 = arith.constant 1 : i32
      %dma_start3A_155 = arith.constant 0 : i32
      %dma_start3A_156 = arith.constant 0 : i32
      %dma_start3A_157 = tpu.memref_slice %arg6[%dma_start3A_154, %dma_start3A_155, %dma_start3A_156] : memref<4x16x1024xf32, #tpu.memory_space<vmem>> -> memref<1x16x1024xf32, #tpu.memory_space<vmem>>
      %dma_start3A_158 = tpu.memref_squeeze %dma_start3A_157 : memref<1x16x1024xf32, #tpu.memory_space<vmem>> -> memref<16x1024xf32, #tpu.memory_space<vmem>>
      %dma_start3A_159 = arith.constant 0 : i32
      %dma_start3A_160 = tpu.memref_slice %arg4[%add3A_153, %dma_start3A_159] : memref<32768x1024xf32, #tpu.memory_space<hbm>> -> memref<16x1024xf32, #tpu.memory_space<hbm>>
      %dma_start3A_161 = arith.constant 0 : i32
      %dma_start3A_162 = tpu.memref_slice %arg4[%add3A_153, %dma_start3A_161] : memref<32768x1024xf32, #tpu.memory_space<hbm>> -> memref<16x1024xf32, #tpu.memory_space<hbm>>
      %dma_start3A_163 = arith.constant 0 : i32
      %dma_start3A_164 = arith.constant 0 : i32
      %dma_start3A_165 = tpu.memref_slice %arg6[%dma_start3A_154, %dma_start3A_163, %dma_start3A_164] : memref<4x16x1024xf32, #tpu.memory_space<vmem>> -> memref<1x16x1024xf32, #tpu.memory_space<vmem>>
      %dma_start3A_166 = tpu.memref_squeeze %dma_start3A_165 : memref<1x16x1024xf32, #tpu.memory_space<vmem>> -> memref<16x1024xf32, #tpu.memory_space<vmem>>
      tpu.enqueue_dma source(%dma_start3A_166 : memref<16x1024xf32, #tpu.memory_space<vmem>>) target(%dma_start3A_162 : memref<16x1024xf32, #tpu.memory_space<hbm>>) target_semaphore(%arg12 : memref<!tpu.dma_semaphore, #tpu.memory_space<semaphore_mem>>)
      %mul3A_167 = arith.constant 4 : i32
      %mul3A_168 = arith.muli %add3A_93, %mul3A_167 : i32
      %add3A_169 = arith.constant 2 : i32
      %add3A_170 = arith.addi %mul3A_168, %add3A_169 : i32
      %add3A_171 = arith.constant 2 : i32
      %add3A_172 = arith.addi %add3A_170, %add3A_171 : i32
      %lt3A_173 = arith.constant 64 : i32
      %lt3A_174 = arith.cmpi slt, %add3A_172, %lt3A_173 : i32
      %convert_element_type3A_175 = arith.extui %lt3A_174 : i1 to i32
      %cond3A_176 = arith.constant 0 : i32
      %cond3A_177 = arith.cmpi ne, %convert_element_type3A_175, %cond3A_176 : i32
      scf.if %cond3A_177 {
        %ge3A = arith.constant 4 : i32
        %ge3A_243 = arith.cmpi sge, %add3A_172, %ge3A : i32
        %convert_element_type3A_244 = arith.extui %ge3A_243 : i1 to i32
        %cond3A_245 = arith.constant 0 : i32
        %cond3A_246 = arith.cmpi ne, %convert_element_type3A_244, %cond3A_245 : i32
        scf.if %cond3A_246 {
          %sub3A = arith.constant 4 : i32
          %sub3A_258 = arith.subi %add3A_172, %sub3A : i32
          %mul3A_259 = arith.constant 16 : i32
          %mul3A_260 = arith.muli %sub3A_258, %mul3A_259 : i32
          %add3A_261 = arith.addi %mul3A_2, %mul3A_260 : i32
          %dma_wait3A_262 = arith.constant 0 : i32
          %dma_wait3A_263 = arith.constant 0 : i32
          %dma_wait3A_264 = arith.constant 0 : i32
          %dma_wait3A_265 = tpu.memref_slice %arg6[%dma_wait3A_262, %dma_wait3A_263, %dma_wait3A_264] : memref<4x16x1024xf32, #tpu.memory_space<vmem>> -> memref<1x16x1024xf32, #tpu.memory_space<vmem>>
          %dma_wait3A_266 = tpu.memref_squeeze %dma_wait3A_265 : memref<1x16x1024xf32, #tpu.memory_space<vmem>> -> memref<16x1024xf32, #tpu.memory_space<vmem>>
          %dma_wait3A_267 = arith.constant 0 : i32
          %dma_wait3A_268 = tpu.memref_slice %arg4[%add3A_261, %dma_wait3A_267] : memref<32768x1024xf32, #tpu.memory_space<hbm>> -> memref<16x1024xf32, #tpu.memory_space<hbm>>
          %dma_wait3A_269 = arith.constant 0 : i32
          %dma_wait3A_270 = tpu.memref_slice %arg4[%add3A_261, %dma_wait3A_269] : memref<32768x1024xf32, #tpu.memory_space<hbm>> -> memref<16x1024xf32, #tpu.memory_space<hbm>>
          %dma_wait3A_271 = arith.constant 0 : i32
          %dma_wait3A_272 = arith.constant 0 : i32
          %dma_wait3A_273 = tpu.memref_slice %arg6[%dma_wait3A_262, %dma_wait3A_271, %dma_wait3A_272] : memref<4x16x1024xf32, #tpu.memory_space<vmem>> -> memref<1x16x1024xf32, #tpu.memory_space<vmem>>
          %dma_wait3A_274 = tpu.memref_squeeze %dma_wait3A_273 : memref<1x16x1024xf32, #tpu.memory_space<vmem>> -> memref<16x1024xf32, #tpu.memory_space<vmem>>
          tpu.wait_dma2 semaphore(%arg11 : memref<!tpu.dma_semaphore, #tpu.memory_space<semaphore_mem>>) src(%dma_wait3A_274 : memref<16x1024xf32, #tpu.memory_space<vmem>>) dst(%dma_wait3A_270 : memref<16x1024xf32, #tpu.memory_space<hbm>>)
        } else {
        }
        %dma_start3A_247 = arith.constant 0 : i32
        %dma_start3A_248 = arith.constant 0 : i32
        %dma_start3A_249 = arith.constant 0 : i32
        %dma_start3A_250 = tpu.memref_slice %arg6[%dma_start3A_247, %dma_start3A_248, %dma_start3A_249] : memref<4x16x1024xf32, #tpu.memory_space<vmem>> -> memref<1x16x1024xf32, #tpu.memory_space<vmem>>
        %dma_start3A_251 = tpu.memref_squeeze %dma_start3A_250 : memref<1x16x1024xf32, #tpu.memory_space<vmem>> -> memref<16x1024xf32, #tpu.memory_space<vmem>>
        %dma_start3A_252 = arith.constant 0 : i32
        %dma_start3A_253 = tpu.memref_slice %arg5[%add3A_172, %dma_start3A_252] : memref<64x16xi32, #tpu.memory_space<vmem>> -> memref<1x16xi32, #tpu.memory_space<vmem>>
        %dma_start3A_254 = tpu.memref_squeeze %dma_start3A_253 : memref<1x16xi32, #tpu.memory_space<vmem>> -> memref<16xi32, #tpu.memory_space<vmem>>
        %dma_start3A_255 = arith.constant 0 : i32
        %dma_start3A_256 = arith.constant 0 : i32
        %dma_start3A_257 = tpu.memref_slice %arg2[%dma_start3A_255, %dma_start3A_256] : memref<100000x1024xf32, #tpu.memory_space<hbm>> -> memref<100000x1024xf32, #tpu.memory_space<hbm>>
        tpu.enqueue_indirect_dma source(%dma_start3A_257 : memref<100000x1024xf32, #tpu.memory_space<hbm>>) target(%dma_start3A_251 : memref<16x1024xf32, #tpu.memory_space<vmem>>) offsets(%dma_start3A_254 : memref<16xi32, #tpu.memory_space<vmem>>) semaphore(%arg7 : memref<!tpu.dma_semaphore, #tpu.memory_space<semaphore_mem>>)
      } else {
      }
      %dma_wait3A_178 = arith.constant 2 : i32
      %dma_wait3A_179 = arith.constant 0 : i32
      %dma_wait3A_180 = arith.constant 0 : i32
      %dma_wait3A_181 = tpu.memref_slice %arg6[%dma_wait3A_178, %dma_wait3A_179, %dma_wait3A_180] : memref<4x16x1024xf32, #tpu.memory_space<vmem>> -> memref<1x16x1024xf32, #tpu.memory_space<vmem>>
      %dma_wait3A_182 = tpu.memref_squeeze %dma_wait3A_181 : memref<1x16x1024xf32, #tpu.memory_space<vmem>> -> memref<16x1024xf32, #tpu.memory_space<vmem>>
      %dma_wait3A_183 = arith.constant 0 : i32
      %dma_wait3A_184 = tpu.memref_slice %arg5[%add3A_170, %dma_wait3A_183] : memref<64x16xi32, #tpu.memory_space<vmem>> -> memref<1x16xi32, #tpu.memory_space<vmem>>
      %dma_wait3A_185 = tpu.memref_squeeze %dma_wait3A_184 : memref<1x16xi32, #tpu.memory_space<vmem>> -> memref<16xi32, #tpu.memory_space<vmem>>
      %dma_wait3A_186 = arith.constant 0 : i32
      %dma_wait3A_187 = arith.constant 0 : i32
      %dma_wait3A_188 = tpu.memref_slice %arg2[%dma_wait3A_186, %dma_wait3A_187] : memref<100000x1024xf32, #tpu.memory_space<hbm>> -> memref<100000x1024xf32, #tpu.memory_space<hbm>>
      tpu.wait_indirect_dma semaphore(%arg9 : memref<!tpu.dma_semaphore, #tpu.memory_space<semaphore_mem>>) src(%dma_wait3A_188 : memref<100000x1024xf32, #tpu.memory_space<hbm>>) dst(%dma_wait3A_182 : memref<16x1024xf32, #tpu.memory_space<vmem>>)
      %mul3A_189 = arith.constant 16 : i32
      %mul3A_190 = arith.muli %add3A_170, %mul3A_189 : i32
      %add3A_191 = arith.addi %mul3A_2, %mul3A_190 : i32
      %dma_start3A_192 = arith.constant 2 : i32
      %dma_start3A_193 = arith.constant 0 : i32
      %dma_start3A_194 = arith.constant 0 : i32
      %dma_start3A_195 = tpu.memref_slice %arg6[%dma_start3A_192, %dma_start3A_193, %dma_start3A_194] : memref<4x16x1024xf32, #tpu.memory_space<vmem>> -> memref<1x16x1024xf32, #tpu.memory_space<vmem>>
      %dma_start3A_196 = tpu.memref_squeeze %dma_start3A_195 : memref<1x16x1024xf32, #tpu.memory_space<vmem>> -> memref<16x1024xf32, #tpu.memory_space<vmem>>
      %dma_start3A_197 = arith.constant 0 : i32
      %dma_start3A_198 = tpu.memref_slice %arg4[%add3A_191, %dma_start3A_197] : memref<32768x1024xf32, #tpu.memory_space<hbm>> -> memref<16x1024xf32, #tpu.memory_space<hbm>>
      %dma_start3A_199 = arith.constant 0 : i32
      %dma_start3A_200 = tpu.memref_slice %arg4[%add3A_191, %dma_start3A_199] : memref<32768x1024xf32, #tpu.memory_space<hbm>> -> memref<16x1024xf32, #tpu.memory_space<hbm>>
      %dma_start3A_201 = arith.constant 0 : i32
      %dma_start3A_202 = arith.constant 0 : i32
      %dma_start3A_203 = tpu.memref_slice %arg6[%dma_start3A_192, %dma_start3A_201, %dma_start3A_202] : memref<4x16x1024xf32, #tpu.memory_space<vmem>> -> memref<1x16x1024xf32, #tpu.memory_space<vmem>>
      %dma_start3A_204 = tpu.memref_squeeze %dma_start3A_203 : memref<1x16x1024xf32, #tpu.memory_space<vmem>> -> memref<16x1024xf32, #tpu.memory_space<vmem>>
      tpu.enqueue_dma source(%dma_start3A_204 : memref<16x1024xf32, #tpu.memory_space<vmem>>) target(%dma_start3A_200 : memref<16x1024xf32, #tpu.memory_space<hbm>>) target_semaphore(%arg13 : memref<!tpu.dma_semaphore, #tpu.memory_space<semaphore_mem>>)
      %mul3A_205 = arith.constant 4 : i32
      %mul3A_206 = arith.muli %add3A_93, %mul3A_205 : i32
      %add3A_207 = arith.constant 3 : i32
      %add3A_208 = arith.addi %mul3A_206, %add3A_207 : i32
      %add3A_209 = arith.constant 2 : i32
      %add3A_210 = arith.addi %add3A_208, %add3A_209 : i32
      %lt3A_211 = arith.constant 64 : i32
      %lt3A_212 = arith.cmpi slt, %add3A_210, %lt3A_211 : i32
      %convert_element_type3A_213 = arith.extui %lt3A_212 : i1 to i32
      %cond3A_214 = arith.constant 0 : i32
      %cond3A_215 = arith.cmpi ne, %convert_element_type3A_213, %cond3A_214 : i32
      scf.if %cond3A_215 {
        %ge3A = arith.constant 4 : i32
        %ge3A_243 = arith.cmpi sge, %add3A_210, %ge3A : i32
        %convert_element_type3A_244 = arith.extui %ge3A_243 : i1 to i32
        %cond3A_245 = arith.constant 0 : i32
        %cond3A_246 = arith.cmpi ne, %convert_element_type3A_244, %cond3A_245 : i32
        scf.if %cond3A_246 {
          %sub3A = arith.constant 4 : i32
          %sub3A_258 = arith.subi %add3A_210, %sub3A : i32
          %mul3A_259 = arith.constant 16 : i32
          %mul3A_260 = arith.muli %sub3A_258, %mul3A_259 : i32
          %add3A_261 = arith.addi %mul3A_2, %mul3A_260 : i32
          %dma_wait3A_262 = arith.constant 1 : i32
          %dma_wait3A_263 = arith.constant 0 : i32
          %dma_wait3A_264 = arith.constant 0 : i32
          %dma_wait3A_265 = tpu.memref_slice %arg6[%dma_wait3A_262, %dma_wait3A_263, %dma_wait3A_264] : memref<4x16x1024xf32, #tpu.memory_space<vmem>> -> memref<1x16x1024xf32, #tpu.memory_space<vmem>>
          %dma_wait3A_266 = tpu.memref_squeeze %dma_wait3A_265 : memref<1x16x1024xf32, #tpu.memory_space<vmem>> -> memref<16x1024xf32, #tpu.memory_space<vmem>>
          %dma_wait3A_267 = arith.constant 0 : i32
          %dma_wait3A_268 = tpu.memref_slice %arg4[%add3A_261, %dma_wait3A_267] : memref<32768x1024xf32, #tpu.memory_space<hbm>> -> memref<16x1024xf32, #tpu.memory_space<hbm>>
          %dma_wait3A_269 = arith.constant 0 : i32
          %dma_wait3A_270 = tpu.memref_slice %arg4[%add3A_261, %dma_wait3A_269] : memref<32768x1024xf32, #tpu.memory_space<hbm>> -> memref<16x1024xf32, #tpu.memory_space<hbm>>
          %dma_wait3A_271 = arith.constant 0 : i32
          %dma_wait3A_272 = arith.constant 0 : i32
          %dma_wait3A_273 = tpu.memref_slice %arg6[%dma_wait3A_262, %dma_wait3A_271, %dma_wait3A_272] : memref<4x16x1024xf32, #tpu.memory_space<vmem>> -> memref<1x16x1024xf32, #tpu.memory_space<vmem>>
          %dma_wait3A_274 = tpu.memref_squeeze %dma_wait3A_273 : memref<1x16x1024xf32, #tpu.memory_space<vmem>> -> memref<16x1024xf32, #tpu.memory_space<vmem>>
          tpu.wait_dma2 semaphore(%arg12 : memref<!tpu.dma_semaphore, #tpu.memory_space<semaphore_mem>>) src(%dma_wait3A_274 : memref<16x1024xf32, #tpu.memory_space<vmem>>) dst(%dma_wait3A_270 : memref<16x1024xf32, #tpu.memory_space<hbm>>)
        } else {
        }
        %dma_start3A_247 = arith.constant 1 : i32
        %dma_start3A_248 = arith.constant 0 : i32
        %dma_start3A_249 = arith.constant 0 : i32
        %dma_start3A_250 = tpu.memref_slice %arg6[%dma_start3A_247, %dma_start3A_248, %dma_start3A_249] : memref<4x16x1024xf32, #tpu.memory_space<vmem>> -> memref<1x16x1024xf32, #tpu.memory_space<vmem>>
        %dma_start3A_251 = tpu.memref_squeeze %dma_start3A_250 : memref<1x16x1024xf32, #tpu.memory_space<vmem>> -> memref<16x1024xf32, #tpu.memory_space<vmem>>
        %dma_start3A_252 = arith.constant 0 : i32
        %dma_start3A_253 = tpu.memref_slice %arg5[%add3A_210, %dma_start3A_252] : memref<64x16xi32, #tpu.memory_space<vmem>> -> memref<1x16xi32, #tpu.memory_space<vmem>>
        %dma_start3A_254 = tpu.memref_squeeze %dma_start3A_253 : memref<1x16xi32, #tpu.memory_space<vmem>> -> memref<16xi32, #tpu.memory_space<vmem>>
        %dma_start3A_255 = arith.constant 0 : i32
        %dma_start3A_256 = arith.constant 0 : i32
        %dma_start3A_257 = tpu.memref_slice %arg2[%dma_start3A_255, %dma_start3A_256] : memref<100000x1024xf32, #tpu.memory_space<hbm>> -> memref<100000x1024xf32, #tpu.memory_space<hbm>>
        tpu.enqueue_indirect_dma source(%dma_start3A_257 : memref<100000x1024xf32, #tpu.memory_space<hbm>>) target(%dma_start3A_251 : memref<16x1024xf32, #tpu.memory_space<vmem>>) offsets(%dma_start3A_254 : memref<16xi32, #tpu.memory_space<vmem>>) semaphore(%arg8 : memref<!tpu.dma_semaphore, #tpu.memory_space<semaphore_mem>>)
      } else {
      }
      %dma_wait3A_216 = arith.constant 3 : i32
      %dma_wait3A_217 = arith.constant 0 : i32
      %dma_wait3A_218 = arith.constant 0 : i32
      %dma_wait3A_219 = tpu.memref_slice %arg6[%dma_wait3A_216, %dma_wait3A_217, %dma_wait3A_218] : memref<4x16x1024xf32, #tpu.memory_space<vmem>> -> memref<1x16x1024xf32, #tpu.memory_space<vmem>>
      %dma_wait3A_220 = tpu.memref_squeeze %dma_wait3A_219 : memref<1x16x1024xf32, #tpu.memory_space<vmem>> -> memref<16x1024xf32, #tpu.memory_space<vmem>>
      %dma_wait3A_221 = arith.constant 0 : i32
      %dma_wait3A_222 = tpu.memref_slice %arg5[%add3A_208, %dma_wait3A_221] : memref<64x16xi32, #tpu.memory_space<vmem>> -> memref<1x16xi32, #tpu.memory_space<vmem>>
      %dma_wait3A_223 = tpu.memref_squeeze %dma_wait3A_222 : memref<1x16xi32, #tpu.memory_space<vmem>> -> memref<16xi32, #tpu.memory_space<vmem>>
      %dma_wait3A_224 = arith.constant 0 : i32
      %dma_wait3A_225 = arith.constant 0 : i32
      %dma_wait3A_226 = tpu.memref_slice %arg2[%dma_wait3A_224, %dma_wait3A_225] : memref<100000x1024xf32, #tpu.memory_space<hbm>> -> memref<100000x1024xf32, #tpu.memory_space<hbm>>
      tpu.wait_indirect_dma semaphore(%arg10 : memref<!tpu.dma_semaphore, #tpu.memory_space<semaphore_mem>>) src(%dma_wait3A_226 : memref<100000x1024xf32, #tpu.memory_space<hbm>>) dst(%dma_wait3A_220 : memref<16x1024xf32, #tpu.memory_space<vmem>>)
      %mul3A_227 = arith.constant 16 : i32
      %mul3A_228 = arith.muli %add3A_208, %mul3A_227 : i32
      %add3A_229 = arith.addi %mul3A_2, %mul3A_228 : i32
      %dma_start3A_230 = arith.constant 3 : i32
      %dma_start3A_231 = arith.constant 0 : i32
      %dma_start3A_232 = arith.constant 0 : i32
      %dma_start3A_233 = tpu.memref_slice %arg6[%dma_start3A_230, %dma_start3A_231, %dma_start3A_232] : memref<4x16x1024xf32, #tpu.memory_space<vmem>> -> memref<1x16x1024xf32, #tpu.memory_space<vmem>>
      %dma_start3A_234 = tpu.memref_squeeze %dma_start3A_233 : memref<1x16x1024xf32, #tpu.memory_space<vmem>> -> memref<16x1024xf32, #tpu.memory_space<vmem>>
      %dma_start3A_235 = arith.constant 0 : i32
      %dma_start3A_236 = tpu.memref_slice %arg4[%add3A_229, %dma_start3A_235] : memref<32768x1024xf32, #tpu.memory_space<hbm>> -> memref<16x1024xf32, #tpu.memory_space<hbm>>
      %dma_start3A_237 = arith.constant 0 : i32
      %dma_start3A_238 = tpu.memref_slice %arg4[%add3A_229, %dma_start3A_237] : memref<32768x1024xf32, #tpu.memory_space<hbm>> -> memref<16x1024xf32, #tpu.memory_space<hbm>>
      %dma_start3A_239 = arith.constant 0 : i32
      %dma_start3A_240 = arith.constant 0 : i32
      %dma_start3A_241 = tpu.memref_slice %arg6[%dma_start3A_230, %dma_start3A_239, %dma_start3A_240] : memref<4x16x1024xf32, #tpu.memory_space<vmem>> -> memref<1x16x1024xf32, #tpu.memory_space<vmem>>
      %dma_start3A_242 = tpu.memref_squeeze %dma_start3A_241 : memref<1x16x1024xf32, #tpu.memory_space<vmem>> -> memref<16x1024xf32, #tpu.memory_space<vmem>>
      tpu.enqueue_dma source(%dma_start3A_242 : memref<16x1024xf32, #tpu.memory_space<vmem>>) target(%dma_start3A_238 : memref<16x1024xf32, #tpu.memory_space<hbm>>) target_semaphore(%arg14 : memref<!tpu.dma_semaphore, #tpu.memory_space<semaphore_mem>>)
    }
    %scan3A_29 = arith.constant 16 : i32
    %add3A_30 = arith.constant 960 : i32
    %add3A_31 = arith.addi %mul3A_2, %add3A_30 : i32
    %dma_wait3A = arith.constant 0 : i32
    %dma_wait3A_32 = arith.constant 0 : i32
    %dma_wait3A_33 = arith.constant 0 : i32
    %dma_wait3A_34 = tpu.memref_slice %arg6[%dma_wait3A, %dma_wait3A_32, %dma_wait3A_33] : memref<4x16x1024xf32, #tpu.memory_space<vmem>> -> memref<1x16x1024xf32, #tpu.memory_space<vmem>>
    %dma_wait3A_35 = tpu.memref_squeeze %dma_wait3A_34 : memref<1x16x1024xf32, #tpu.memory_space<vmem>> -> memref<16x1024xf32, #tpu.memory_space<vmem>>
    %dma_wait3A_36 = arith.constant 0 : i32
    %dma_wait3A_37 = tpu.memref_slice %arg4[%add3A_31, %dma_wait3A_36] : memref<32768x1024xf32, #tpu.memory_space<hbm>> -> memref<16x1024xf32, #tpu.memory_space<hbm>>
    %dma_wait3A_38 = arith.constant 0 : i32
    %dma_wait3A_39 = tpu.memref_slice %arg4[%add3A_31, %dma_wait3A_38] : memref<32768x1024xf32, #tpu.memory_space<hbm>> -> memref<16x1024xf32, #tpu.memory_space<hbm>>
    %dma_wait3A_40 = arith.constant 0 : i32
    %dma_wait3A_41 = arith.constant 0 : i32
    %dma_wait3A_42 = tpu.memref_slice %arg6[%dma_wait3A, %dma_wait3A_40, %dma_wait3A_41] : memref<4x16x1024xf32, #tpu.memory_space<vmem>> -> memref<1x16x1024xf32, #tpu.memory_space<vmem>>
    %dma_wait3A_43 = tpu.memref_squeeze %dma_wait3A_42 : memref<1x16x1024xf32, #tpu.memory_space<vmem>> -> memref<16x1024xf32, #tpu.memory_space<vmem>>
    tpu.wait_dma2 semaphore(%arg11 : memref<!tpu.dma_semaphore, #tpu.memory_space<semaphore_mem>>) src(%dma_wait3A_43 : memref<16x1024xf32, #tpu.memory_space<vmem>>) dst(%dma_wait3A_39 : memref<16x1024xf32, #tpu.memory_space<hbm>>)
    %add3A_44 = arith.constant 976 : i32
    %add3A_45 = arith.addi %mul3A_2, %add3A_44 : i32
    %dma_wait3A_46 = arith.constant 1 : i32
    %dma_wait3A_47 = arith.constant 0 : i32
    %dma_wait3A_48 = arith.constant 0 : i32
    %dma_wait3A_49 = tpu.memref_slice %arg6[%dma_wait3A_46, %dma_wait3A_47, %dma_wait3A_48] : memref<4x16x1024xf32, #tpu.memory_space<vmem>> -> memref<1x16x1024xf32, #tpu.memory_space<vmem>>
    %dma_wait3A_50 = tpu.memref_squeeze %dma_wait3A_49 : memref<1x16x1024xf32, #tpu.memory_space<vmem>> -> memref<16x1024xf32, #tpu.memory_space<vmem>>
    %dma_wait3A_51 = arith.constant 0 : i32
    %dma_wait3A_52 = tpu.memref_slice %arg4[%add3A_45, %dma_wait3A_51] : memref<32768x1024xf32, #tpu.memory_space<hbm>> -> memref<16x1024xf32, #tpu.memory_space<hbm>>
    %dma_wait3A_53 = arith.constant 0 : i32
    %dma_wait3A_54 = tpu.memref_slice %arg4[%add3A_45, %dma_wait3A_53] : memref<32768x1024xf32, #tpu.memory_space<hbm>> -> memref<16x1024xf32, #tpu.memory_space<hbm>>
    %dma_wait3A_55 = arith.constant 0 : i32
    %dma_wait3A_56 = arith.constant 0 : i32
    %dma_wait3A_57 = tpu.memref_slice %arg6[%dma_wait3A_46, %dma_wait3A_55, %dma_wait3A_56] : memref<4x16x1024xf32, #tpu.memory_space<vmem>> -> memref<1x16x1024xf32, #tpu.memory_space<vmem>>
    %dma_wait3A_58 = tpu.memref_squeeze %dma_wait3A_57 : memref<1x16x1024xf32, #tpu.memory_space<vmem>> -> memref<16x1024xf32, #tpu.memory_space<vmem>>
    tpu.wait_dma2 semaphore(%arg12 : memref<!tpu.dma_semaphore, #tpu.memory_space<semaphore_mem>>) src(%dma_wait3A_58 : memref<16x1024xf32, #tpu.memory_space<vmem>>) dst(%dma_wait3A_54 : memref<16x1024xf32, #tpu.memory_space<hbm>>)
    %add3A_59 = arith.constant 992 : i32
    %add3A_60 = arith.addi %mul3A_2, %add3A_59 : i32
    %dma_wait3A_61 = arith.constant 2 : i32
    %dma_wait3A_62 = arith.constant 0 : i32
    %dma_wait3A_63 = arith.constant 0 : i32
    %dma_wait3A_64 = tpu.memref_slice %arg6[%dma_wait3A_61, %dma_wait3A_62, %dma_wait3A_63] : memref<4x16x1024xf32, #tpu.memory_space<vmem>> -> memref<1x16x1024xf32, #tpu.memory_space<vmem>>
    %dma_wait3A_65 = tpu.memref_squeeze %dma_wait3A_64 : memref<1x16x1024xf32, #tpu.memory_space<vmem>> -> memref<16x1024xf32, #tpu.memory_space<vmem>>
    %dma_wait3A_66 = arith.constant 0 : i32
    %dma_wait3A_67 = tpu.memref_slice %arg4[%add3A_60, %dma_wait3A_66] : memref<32768x1024xf32, #tpu.memory_space<hbm>> -> memref<16x1024xf32, #tpu.memory_space<hbm>>
    %dma_wait3A_68 = arith.constant 0 : i32
    %dma_wait3A_69 = tpu.memref_slice %arg4[%add3A_60, %dma_wait3A_68] : memref<32768x1024xf32, #tpu.memory_space<hbm>> -> memref<16x1024xf32, #tpu.memory_space<hbm>>
    %dma_wait3A_70 = arith.constant 0 : i32
    %dma_wait3A_71 = arith.constant 0 : i32
    %dma_wait3A_72 = tpu.memref_slice %arg6[%dma_wait3A_61, %dma_wait3A_70, %dma_wait3A_71] : memref<4x16x1024xf32, #tpu.memory_space<vmem>> -> memref<1x16x1024xf32, #tpu.memory_space<vmem>>
    %dma_wait3A_73 = tpu.memref_squeeze %dma_wait3A_72 : memref<1x16x1024xf32, #tpu.memory_space<vmem>> -> memref<16x1024xf32, #tpu.memory_space<vmem>>
    tpu.wait_dma2 semaphore(%arg13 : memref<!tpu.dma_semaphore, #tpu.memory_space<semaphore_mem>>) src(%dma_wait3A_73 : memref<16x1024xf32, #tpu.memory_space<vmem>>) dst(%dma_wait3A_69 : memref<16x1024xf32, #tpu.memory_space<hbm>>)
    %add3A_74 = arith.constant 1008 : i32
    %add3A_75 = arith.addi %mul3A_2, %add3A_74 : i32
    %dma_wait3A_76 = arith.constant 3 : i32
    %dma_wait3A_77 = arith.constant 0 : i32
    %dma_wait3A_78 = arith.constant 0 : i32
    %dma_wait3A_79 = tpu.memref_slice %arg6[%dma_wait3A_76, %dma_wait3A_77, %dma_wait3A_78] : memref<4x16x1024xf32, #tpu.memory_space<vmem>> -> memref<1x16x1024xf32, #tpu.memory_space<vmem>>
    %dma_wait3A_80 = tpu.memref_squeeze %dma_wait3A_79 : memref<1x16x1024xf32, #tpu.memory_space<vmem>> -> memref<16x1024xf32, #tpu.memory_space<vmem>>
    %dma_wait3A_81 = arith.constant 0 : i32
    %dma_wait3A_82 = tpu.memref_slice %arg4[%add3A_75, %dma_wait3A_81] : memref<32768x1024xf32, #tpu.memory_space<hbm>> -> memref<16x1024xf32, #tpu.memory_space<hbm>>
    %dma_wait3A_83 = arith.constant 0 : i32
    %dma_wait3A_84 = tpu.memref_slice %arg4[%add3A_75, %dma_wait3A_83] : memref<32768x1024xf32, #tpu.memory_space<hbm>> -> memref<16x1024xf32, #tpu.memory_space<hbm>>
    %dma_wait3A_85 = arith.constant 0 : i32
    %dma_wait3A_86 = arith.constant 0 : i32
    %dma_wait3A_87 = tpu.memref_slice %arg6[%dma_wait3A_76, %dma_wait3A_85, %dma_wait3A_86] : memref<4x16x1024xf32, #tpu.memory_space<vmem>> -> memref<1x16x1024xf32, #tpu.memory_space<vmem>>
    %dma_wait3A_88 = tpu.memref_squeeze %dma_wait3A_87 : memref<1x16x1024xf32, #tpu.memory_space<vmem>> -> memref<16x1024xf32, #tpu.memory_space<vmem>>
    tpu.wait_dma2 semaphore(%arg14 : memref<!tpu.dma_semaphore, #tpu.memory_space<semaphore_mem>>) src(%dma_wait3A_88 : memref<16x1024xf32, #tpu.memory_space<vmem>>) dst(%dma_wait3A_84 : memref<16x1024xf32, #tpu.memory_space<hbm>>)
    return
  }
}

module attributes {stable_mosaic.version = 14 : i64} {
  func.func @_copy_body(%arg0: i32, %arg1: memref<1024x1024xf32, #tpu.memory_space<vmem>>, %arg2: memref<1024x1024xf32, #tpu.memory_space<vmem>>) attributes {dimension_semantics = [#tpu.dimension_semantics<arbitrary>], iteration_bounds = array<i64: 32>, scalar_prefetch = 0 : i64, scratch_operands = 0 : i64, tpu.core_type = #tpu.core_type<tc>, window_params = [{transform_indices = @transform_0, window_bounds = array<i64: 1024, 1024>}, {transform_indices = @transform_1, window_bounds = array<i64: 1024, 1024>}]} {
    %get3A = arith.constant 0 : index
    %get3A_0 = arith.constant 0 : index
    %get3A_1 = vector.load %arg1[%get3A, %get3A_0] : memref<1024x1024xf32, #tpu.memory_space<vmem>>, vector<1024x1024xf32>
    %swap3A = arith.constant 0 : index
    %swap3A_2 = arith.constant 0 : index
    %swap3A_3 = vector.load %arg2[%swap3A, %swap3A_2] : memref<1024x1024xf32, #tpu.memory_space<vmem>>, vector<1024x1024xf32>
    tpu.vector_store %arg2[%swap3A, %swap3A_2], %get3A_1 {strides = array<i32>} : memref<1024x1024xf32, #tpu.memory_space<vmem>>, vector<1024x1024xf32>,
    return
  }
  func.func @transform_0(%arg0: i32) -> (i32, i32) {
    %c0_i32 = arith.constant 0 : i32
    %c0_i32_0 = arith.constant 0 : i32
    return %arg0, %c0_i32 : i32, i32
  }
  func.func @transform_1(%arg0: i32) -> (i32, i32) {
    %c0_i32 = arith.constant 0 : i32
    %c0_i32_0 = arith.constant 0 : i32
    return %arg0, %c0_i32 : i32, i32
  }
}

</mosaic_0001>

<sc_bundles>
// kernel: kernel.4.cloned.1.call-start
scs
__scs_entry_jumppad:
0x0: {  	(pc) =	sbr.rel $0x88, $3  }
0x1: {  	(tag) =	ssettag $0x0;
	lr =	simm.s32 $0x1  }
0x2: {  	[smem:$0x3F9E] =	sst lr;
	_ =	strace $0xD0000000  }
0x3: {  	_ = 	snop  }
0x4: {  	_ = 	snop  }
0x5: {  	_ = 	snop  }
0x6: {  	_ = 	snop  }
0x7: {  	_ = 	snop  }
__scs_overlays_trampoline_lowered:
0x8: {  	[smem:$0x3FAD] =	sst s0  }
0x9: {  	[smem:$0x3FAE] =	sst s1  }
0xa: {  	[smem:$0x3FAF] =	sst s2  }
0xb: {  	[smem:$0x3FB0] =	sst s3  }
0xc: {  	[smem:$0x3FB1] =	sst s4  }
0xd: {  	[smem:$0x3FB2] =	sst s5  }
0xe: {  	[smem:$0x3FB3] =	sst s6  }
0xf: {  	[smem:$0x3FB4] =	sst s7  }
0x10: {  	[smem:$0x3FB5] =	sst s8  }
0x11: {  	[smem:$0x3FB6] =	sst s9;
	s0 =	simm.s32 @!p0 $0x0  }
0x12: {  	s1 =	sld [smem:$0x3F9C];
	s0 =	simm.s32 @p0 $0x1  }
0x13: {  	[smem:$0x3FB7] =	sst s0;
	s0 =	simm.s32 @!p1 $0x0  }
0x14: {  	s2 =	sld [smem:$0x3F9B];
	s0 =	simm.s32 @p1 $0x1  }
0x15: {  	[smem:$0x3FB8] =	sst s0;
	s0 =	simm.s32 @!p2 $0x0  }
0x16: {  	s3 =	sld [smem:$0x3FDB];
	s0 =	simm.s32 @p2 $0x1  }
0x17: {  	s4 =	simm.s32 $0x1BF5;
	[smem:$0x3FBA] =	sst s0  }
0x18: {  	s0 =	sld [smem:$0x3F9D];
	_ =	swait.ge [sflag:s4], $0x0  }
0x19: {  	s7 =	sld [smem:$0x3F9E]  }
0x1a: {  	s8 =	sadd.s32 $0xFFFFE003, lr  }
0x1b: {  	s9 =	sadd.s32 $0xFFFFFEF7, lr;
	s5 =	simm.s32 $0xFFFFFFFF;
	p2 =	slt.u32 s8, $0xFFFFF086  }
0x1c: {  	p1 =	slt.u32 s9, $0xF7A;
	s5 =	simm.s32 @!p2 $0x0  }
0x1d: {  	s5 =	simm.s32 @p1 $0x1;
	p0 =	seq.s32 s7, s2  }
0x1e: {  	s7 =	smul.u32 @!p0 $0xF7A, s2;
	p2 =	seq.s32 @!p0 s5, $0x0  }
0x1f: {  	s9 =	smul.u32 $0xF7A, s1;
	s8 =	simm.s32 @!p0 $0x1BF5;
	p2 =	por !p2, p0  }
0x20: {  	[sflag:s8] =	ssyncset.s32 @!p0 $0xFFFFF086;
	s6 =	sadd.s32 @!p0 s3, s7;
	s7 =	simm.s32 @!p0 $0x108  }
0x21: {  	s3 =	sadd.s32 s3, s9;
	s6 =	sadd.s32 @!p0 $0x88, s6;
	s7 =	simm.s32 @p2 $0x1082  }
0x22: {  	[simem:s7], [sflag:s8] =	dma.local @!p0 [hbm:s6], $0xF7A  }
0x23: {  	s9 =	sor.u32 $0xD0000000, s2;
	s6 =	simm.s32 $0x108;
	_ =	swait.ge @!p0 [sflag:s8], $0x0  }
0x24: {  	s3 =	sadd.s32 $0x88, s3;
	s6 =	simm.s32 @!p1 $0x1082;
	[sflag:s4] =	ssyncset.s32 $0xFFFFF086  }
0x25: {  	[simem:s6], [sflag:s4] =	dma.local [hbm:s3], $0xF7A  }
0x26: {  	[smem:$0x3F9E] =	sst s1;
	(tag) =	ssettag s2;
	_ =	strace s9  }
0x27: {  	s1 =	sld [smem:$0x3FAE]  }
0x28: {  	s2 =	sld [smem:$0x3FAF]  }
0x29: {  	s4 =	sld [smem:$0x3FB1]  }
0x2a: {  	p0 =	seq.s32 s5, $0x0;
	s5 =	sld [smem:$0x3FB2]  }
0x2b: {  	s6 =	sld [smem:$0x3FB3]  }
0x2c: {  	s7 =	sld [smem:$0x3FB4]  }
0x2d: {  	s3 =	simm.s32 $0x108;
	s8 =	sld [smem:$0x3FB5]  }
0x2e: {  	s3 =	simm.s32 @!p0 $0x1082;
	s9 =	sld [smem:$0x3FB6]  }
0x2f: {  	lr =	sadd.s32 s0, s3;
	s0 =	sld [smem:$0x3FAD]  }
0x30: {  	s3 =	sld [smem:$0x3FB0]  }
0x31: {  	[smem:$0x3FB9] =	sst s10  }
0x32: {  	s10 =	sld [smem:$0x3FB7];
	_ =	sdelay $0x3  }
0x33: {  	p0 =	seq.s32 s10, $0x1;
	s10 =	sld [smem:$0x3FB9];
	_ =	sdelay $0x3  }
0x34: {  	[smem:$0x3FB9] =	sst s10  }
0x35: {  	s10 =	sld [smem:$0x3FB8];
	_ =	sdelay $0x3  }
0x36: {  	p1 =	seq.s32 s10, $0x1;
	s10 =	sld [smem:$0x3FB9];
	_ =	sdelay $0x3  }
0x37: {  	[smem:$0x3FB9] =	sst s10  }
0x38: {  	s10 =	sld [smem:$0x3FBA]  }
0x39: {  	_ = 	snop;
	(pc) =	sbr.ind lr, $3  }
0x3a: {  	_ = 	snop  }
0x3b: {  	_ = 	snop  }
0x3c: {  	p2 =	seq.s32 s10, $0x1;
	s10 =	sld [smem:$0x3FB9]  }
0x3d: {  	_ =	shalt  }
0x3e: {  	_ =	shalt  }
0x3f: {  	_ =	shalt  }
0x40: {  	_ =	shalt  }
0x41: {  	_ =	shalt  }
0x42: {  	_ =	shalt  }
0x43: {  	_ =	shalt  }
0x44: {  	_ =	shalt  }
0x45: {  	_ =	shalt  }
0x46: {  	_ =	shalt  }
0x47: {  	_ =	shalt  }
0x48: {  	_ =	shalt  }
0x49: {  	_ =	shalt  }
0x4a: {  	_ =	shalt  }
0x4b: {  	_ =	shalt  }
0x4c: {  	_ =	shalt  }
0x4d: {  	_ =	shalt  }
0x4e: {  	_ =	shalt  }
0x4f: {  	_ =	shalt  }
0x50: {  	_ =	shalt  }
0x51: {  	_ =	shalt  }
0x52: {  	_ =	shalt  }
0x53: {  	_ =	shalt  }
0x54: {  	_ =	shalt  }
0x55: {  	_ =	shalt  }
0x56: {  	_ =	shalt  }
0x57: {  	_ =	shalt  }
0x58: {  	_ =	shalt  }
0x59: {  	_ =	shalt  }
0x5a: {  	_ =	shalt  }
0x5b: {  	_ =	shalt  }
0x5c: {  	_ =	shalt  }
0x5d: {  	_ =	shalt  }
0x5e: {  	_ =	shalt  }
0x5f: {  	_ =	shalt  }
0x60: {  	_ =	shalt  }
0x61: {  	_ =	shalt  }
0x62: {  	_ =	shalt  }
0x63: {  	_ =	shalt  }
0x64: {  	_ =	shalt  }
0x65: {  	_ =	shalt  }
0x66: {  	_ =	shalt  }
0x67: {  	_ =	shalt  }
0x68: {  	_ =	shalt  }
0x69: {  	_ =	shalt  }
0x6a: {  	_ =	shalt  }
0x6b: {  	_ =	shalt  }
0x6c: {  	_ =	shalt  }
0x6d: {  	_ =	shalt  }
0x6e: {  	_ =	shalt  }
0x6f: {  	_ =	shalt  }
0x70: {  	_ =	shalt  }
0x71: {  	_ =	shalt  }
0x72: {  	_ =	shalt  }
0x73: {  	_ =	shalt  }
0x74: {  	_ =	shalt  }
0x75: {  	_ =	shalt  }
0x76: {  	_ =	shalt  }
0x77: {  	_ =	shalt  }
0x78: {  	_ =	shalt  }
0x79: {  	_ =	shalt  }
0x7a: {  	_ =	shalt  }
0x7b: {  	_ =	shalt  }
0x7c: {  	_ =	shalt  }
0x7d: {  	_ =	shalt  }
0x7e: {  	_ =	shalt  }
0x7f: {  	_ =	shalt  }
0x80: {  	_ =	shalt  }
0x81: {  	_ =	shalt  }
0x82: {  	_ =	shalt  }
0x83: {  	_ =	shalt  }
0x84: {  	_ =	shalt  }
0x85: {  	_ =	shalt  }
0x86: {  	_ =	shalt  }
0x87: {  	_ =	shalt  }
.Lfunc_end0:
.L_simem_size_0:
called_computation_lowered:
.L_overlay_start_0:
0x88: {  	s2 =	sld [smem:$0x3FD9]  }
0x89: {  	s3 =	sld [smem:$0x3FFE];
	_ =	sdelay $0x1  }
0x8a: {  	s1 =	srdreg.scid  }
0x8b: {  	s0 =	sand.u32 $0x1, s1  }
0x8c: {  	s14 =	sshll.u32 s0, $0xA;
	s2 =	sadd.s32 s3, s2  }
0x8d: {  	s2 =	sadd.s32 s2, s14  }
0x8e: {  	[smem:$0x3FC5] =	sst s2  }
0x8f: {  	_ = 	snop  }
0x90: {  	s2 =	sld [smem:$0x3FD0];
	_ =	sdelay $0x2  }
0x91: {  	s4 =	simm.s32 $0xA;
	s5 =	simm.s32 $0x10;
	s15 =	sld [smem:$0x3FC7]  }
0x92: {  	[smem:s5], [sflag:s4] =	dma.local [hbm:s2], $0x1  }
0x93: {  	_ =	swait.eq [sflag:s4], $0x1  }
0x94: {  	[sflag:s4] =	ssyncset.done $0x0  }
0x95: {  	[sflag:s4] =	ssyncadd.s32 $0xFFFFFFFF  }
0x96: {  	s16 =	sld [smem:$0x10];
	(tm) =	ssettm $0x1  }
0x97: {  	s17 =	sld [smem:$0x3FFB];
	_ =	sdelay $0x3  }
0x98: {  	_ =	strace s17  }
0x99: {  	s4 =	sld [smem:$0x3FFC];
	_ =	sdelay $0x3  }
0x9a: {  	_ =	strace s4  }
0x9b: {  	s4 =	sld [smem:$0x3FFD];
	_ =	sdelay $0x3  }
0x9c: {  	_ =	strace s4  }
0x9d: {  	_ =	strace $0x8FFFFFFF  }
0x9e: {  	s18 =	sld [smem:$0x3FDB];
	_ =	sdelay $0x1  }
0x9f: {  	s19 =	simm.s32 $_scs_section_size  }
0xa0: {  	s6 =	simm.s32 $_size__tile_overlayer_lowered;
	s7 =	simm.s32 $_tile_overlayer_lowered  }
0xa1: {  	s22 =	simm.s32 $0x1BFF;
	s21 =	sshll.u32 s7, $0x1;
	s4 =	sadd.s32 s19, s18  }
0xa2: {  	s8 =	simm.s32 $0x0;
	s20 =	sshll.u32 s6, $0x1;
	s6 =	sadd.s32 s21, s4  }
0xa3: {  	[timem:s8], [sflag:s22] =	dma.local [hbm:s6], s20  }
0xa4: {  	_ =	swait.ge [sflag:s22], s20  }
0xa5: {  	s5 =	ssub.s32 $0x0, s20;
	[sflag:s22] =	ssyncset.done $0x0  }
0xa6: {  	[sflag:s22] =	ssyncadd.s32 s5;
	_ =	sdelay $0x1  }
0xa7: {  	s23 =	simm.s32 $0x1B8B  }
0xa8: {  	_ =	swait.ge [sflag:s23], $0x1  }
0xa9: {  	[sflag:s23] =	ssyncset.done $0x0  }
0xaa: {  	s25 =	simm.s32 $0x1B8E;
	s24 =	sld [smem:$0x3FFE];
	[sflag:s23] =	ssyncadd.s32 $0xFFFFFFFF  }
0xab: {  	s26 =	simm.s32 $execute0_lowered;
	[smem:$0x3FD2] =	sst s25  }
0xac: {  	s6 =	sshll.u32 s26, $0x1;
	_ =	strace $0x80000046;
	[dreg:$0x1] =	wrdreg $0xFFFFFFFF  }
0xad: {  	s28 =	simm.s32 $_size_execute0_lowered;
	s4 =	sadd.s32 s4, s6;
	[dreg:$0x0] =	wrdreg $0x0  }
0xae: {  	s6 =	sshll.u32 s28, $0x1;
	[dreg:$0x2] =	wrdreg s4  }
0xaf: {  	[dreg:$0x3] =	wrdreg s6  }
0xb0: {  	[dreg:$0x4] =	wrdreg $0xC0  }
0xb1: {  	_ =	task [dreg:s8], $0x5FFFF  }
0xb2: {  	[dreg:$0x1] =	wrdreg $0xFFFFFFFF  }
0xb3: {  	[dreg:$0x0] =	wrdreg $0x60  }
0xb4: {  	[dreg:$0x2] =	wrdreg s15  }
0xb5: {  	[dreg:$0x3] =	wrdreg s24  }
0xb6: {  	[dreg:$0x4] =	wrdreg s16  }
0xb7: {  	[dreg:$0x5] =	wrdreg $0x9  }
0xb8: {  	_ =	task.clear_ibuf [dreg:s8], $0x6FFFF;
	_ =	strace $0x90000046  }
0xb9: {  	s29 =	simm.s32 $0x9;
	_ =	strace $0x80000048  }
0xba: {  	_ =	swait.ge [sflag:s29], $0x1  }
0xbb: {  	[sflag:s29] =	ssyncadd.s32 $0xFFFFFFFF  }
0xbc: {  	_ =	strace $0x90000048  }
0xbd: {  	_ =	sfence  }
0xbe: {  	s30 =	sld [smem:$0x0];
	_ =	sdelay $0x2  }
0xbf: {  	s31 =	sshll.u32 s1, $0xD;
	s1 =	sshrl.u32 s1, $0x2  }
0xc0: {  	s3 =	sand.u32 $0x4000, s31;
	s1 =	sadd.s32 s1, s30  }
0xc1: {  	s0 =	sor.u32 s3, s0;
	s1 =	sshll.u32 s1, $0x11  }
0xc2: {  	s0 =	sor.u32 s1, s0  }
0xc3: {  	s0 =	sadd.s32 $0x8F2B, s0  }
0xc4: {  	[sflag:s0] =	ssyncadd.remote.s32 $0x1  }
0xc5: {  	_ =	sfence.sel $0xFFFF  }
0xc6: {  	[dreg:$0x0] =	wrdreg $0xFFFFFFFF;
	(pc) =	sbr.abs _section_cstart, $3  }
0xc7: {  	[dreg:$0x1] =	wrdreg $0xFFFFFFFF  }
0xc8: {  	_ =	task.clear_ibuf [dreg:s8], $0x2FFFF;
	_ =	strace $0x9FFFFFFF  }
0xc9: {  	(tm) =	ssettm $0x7FFFFFFF  }
tec
execute0_lowered:
.L_overlay_start_1:
0x0: {  	(tag) =	ssettag $0x1  }
0x1: {  	s2 =	rddreg [dreg:$0x0]  }
0x2: {  	s0 =	rddreg [dreg:$0x1]  }
0x3: {  	s1 =	rddreg [dreg:$0x2]  }
0x4: {  	s3 =	srdreg.scid;
	s10 =	stileid.u32;
	s12 =	simm.s32 $0x2000  }
0x5: {  	s20 =	simm.s32 $0x6000;
	s29 =	simm.s32 $0xA000;
	s11 =	simm.s32 $0xD800  }
0x6: {  	s13 =	simm.s32 $0x1;
	s14 =	simm.s32 $0xE000;
	s15 =	simm.s32 $0xE800  }
0x7: {  	s16 =	simm.s32 $0xF000;
	s17 =	simm.s32 $0xF800;
	s18 =	simm.s32 $0x10000  }
0x8: {  	s19 =	simm.s32 $0x10800;
	s21 =	simm.s32 $0x11000;
	s22 =	simm.s32 $0x11800  }
0x9: {  	s23 =	simm.s32 $0x2;
	s28 =	simm.s32 $0x6;
	s30 =	simm.s32 $0x0  }
0xa: {  	s4 =	sand.u32 $0x1, s3;
	s5 =	sshll.u32 s10, $0x1;
	s3 =	simm.s32 $0x0  }
0xb: {  	s24 =	sshll.u32 s10, $0x12;
	s5 =	sor.u32 s4, s5;
	s6 =	ssub.s32 $0x2, s4  }
0xc: {  	[smem:$0x7FF] =	sst s3;
	s25 =	sshll.u32 s4, $0x11;
	s4 =	simm.s32 $0xC800  }
0xd: {  	s7 =	sshll.u32 s5, $0xA;
	s8 =	sshrl.u32 s6, $0x1;
	_ =	strace $0x80000047  }
0xe: {  	s9 =	sshll.u32 s5, $0x11;
	s5 =	sadd.s32 $0x100, s2;
	s0 =	sadd.s32 s7, s0  }
0xf: {  	s8 =	ssub.s32 s6, s8;
	s6 =	sadd.s32 $0x200, s2;
	s7 =	sadd.s32 $0x300, s2  }
.Ltmp0:
0x10: {  	s9 =	sadd.s32 s9, s1;
	s0 =	sadd.s32 $0x400, s0;
	(pc) =	sbr.rel .LBB2_1-.Ltmp0, $4  }
0x11: {  	s26 =	sadd.s32 $0x1F000, s9;
	s31 =	smax.u32 s8, $0x1;
	[dreg:$0x4] =	wrdreg s0  }
0x12: {  	v2 =	vlaneseq.u32;
	s9 =	simm.s32 $0xD000;
	s0 =	sadd.s32 s24, s1;
	[dreg:$0x5] =	wrdreg s26  }
0x13: {  	vm0 =	vmmov $0xffff;
	v1 =	vshrl.u32 v2, $0x3;
	[dreg:$0x6] =	wrdreg s31;
	s1 =	simm.s32 $0xC000;
	s24 =	simm.s32 $0x3  }
0x14: {  	v0 =	vand.u32 $0x7, v2;
	v2 =	vor.u32 $0x8, v2;
	v1 =	vmul.u32 $0x8, v1;
	s26 =	simm.s32 $0x5;
	s10 =	sadd.s32 s25, s0;
	s25 =	simm.s32 $0x4  }
.LBB2_6:
0x15: {  	_ =	swait.ge [sflag:s26], $0x4000  }
0x16: {  	[sflag:s26] =	ssyncset.done $0x0  }
0x17: {  	[sflag:s26] =	ssyncadd.s32 $0xFFFFC000  }
0x18: {  	_ =	swait.ge [sflag:s28], $0x4000  }
0x19: {  	[sflag:s28] =	ssyncset.done $0x0  }
0x1a: {  	s0 =	simm.s32 $0x7;
	[sflag:s28] =	ssyncadd.s32 $0xFFFFC000  }
0x1b: {  	_ =	swait.ge [sflag:s0], $0x4000  }
0x1c: {  	[sflag:s0] =	ssyncset.done $0x0  }
0x1d: {  	s8 =	simm.s32 $0x8;
	[sflag:s0] =	ssyncadd.s32 $0xFFFFC000  }
0x1e: {  	_ =	swait.ge [sflag:s8], $0x4000  }
0x1f: {  	s30 =	rddreg [dreg:$0x7]  }
0x20: {  	s31 =	rddreg [dreg:$0x6];
	s30 =	sadd.s32 $0x1, s30  }
0x21: {  	p0 =	sne.s32 s30, s31  }
.Ltmp1:
0x22: {  	_ = 	snop;
	(pc) =	sbr.rel @!p0 .LBB2_7-.Ltmp1, $3  }
0x23: {  	_ =	sdelay $0x1  }
0x24: {  	[sflag:s8] =	ssyncset.done $0x0  }
0x25: {  	[sflag:s8] =	ssyncadd.s32 $0xFFFFC000  }
.LBB2_1:
0x26: {  	[dreg:$0x7] =	wrdreg s30  }
0x27: {  	s0 =	rddreg [dreg:$0x4];
	s31 =	simm.s32 $0x9  }
0x28: {  	[tilespmem:s3], [sflag:$0x9] =	stream.linear.gather [hbm4b:s0+s3], $0x2000, $0x38;
	[tilespmem:$0x12000] =	vst v63  }
0x29: {  	_ =	swait.ge [sflag:s31], $0x2000  }
0x2a: {  	[sflag:s31] =	ssyncset.done $0x0  }
0x2b: {  	[sflag:s31] =	ssyncadd.s32 $0xFFFFE000  }
0x2c: {  	v3 =	vld [tilespmem:$0x0];
	_ =	sdelay $0x4  }
0x2d: {  	v4 =	vshll.u32 v3, $0x3  }
0x2e: {  	v3 =	vand.u32 $0x7, v3;
	v4 =	vand.u32 $0xFFFFFFC0, v4  }
0x2f: {  	v3 =	vor.u32 v3, v4  }
0x30: {  	v4 =	vperm.xlane v3, v0;
	_ =	sdelay $0x1  }
0x31: {  	v4 =	vadd.s32 v1, v4;
	_ =	sdelay $0x4  }
0x32: {  	[tilespmem:s12], [sflag:$0x1] =	stream.indirect_vreg.gather [hbm4b:s2+s3], $0x80, v4, vm0, $0xb8;
	[tilespmem:$0x12000] =	vst v63  }
0x33: {  	s8 =	simm.s32 $0x2800;
	v3 =	vperm.xlane v3, v2  }
0x34: {  	[tilespmem:s8], [sflag:$0x1] =	stream.indirect_vreg.gather [hbm4b:s5+s3], $0x80, v4, vm0, $0xb8;
	[tilespmem:$0x12000] =	vst v63  }
0x35: {  	s31 =	simm.s32 $0x3000;
	v3 =	vadd.s32 v1, v3  }
0x36: {  	[tilespmem:s31], [sflag:$0x1] =	stream.indirect_vreg.gather [hbm4b:s6+s3], $0x80, v4, vm0, $0xb8;
	[tilespmem:$0x12000] =	vst v63  }
0x37: {  	s8 =	simm.s32 $0x3800  }
0x38: {  	[tilespmem:s8], [sflag:$0x1] =	stream.indirect_vreg.gather [hbm4b:s7+s3], $0x80, v4, vm0, $0xb8;
	[tilespmem:$0x12000] =	vst v63  }
0x39: {  	s31 =	simm.s32 $0x4000  }
0x3a: {  	[tilespmem:s31], [sflag:$0x1] =	stream.indirect_vreg.gather [hbm4b:s2+s3], $0x80, v3, vm0, $0xb8;
	[tilespmem:$0x12000] =	vst v63  }
0x3b: {  	s8 =	simm.s32 $0x4800  }
0x3c: {  	[tilespmem:s8], [sflag:$0x1] =	stream.indirect_vreg.gather [hbm4b:s5+s3], $0x80, v3, vm0, $0xb8;
	[tilespmem:$0x12000] =	vst v63  }
0x3d: {  	s31 =	simm.s32 $0x5000  }
0x3e: {  	[tilespmem:s31], [sflag:$0x1] =	stream.indirect_vreg.gather [hbm4b:s6+s3], $0x80, v3, vm0, $0xb8;
	[tilespmem:$0x12000] =	vst v63  }
0x3f: {  	s8 =	simm.s32 $0x5800  }
0x40: {  	[tilespmem:s8], [sflag:$0x1] =	stream.indirect_vreg.gather [hbm4b:s7+s3], $0x80, v3, vm0, $0xb8;
	[tilespmem:$0x12000] =	vst v63  }
0x41: {  	v3 =	vld [tilespmem:$0x80];
	_ =	sdelay $0x4  }
0x42: {  	v63 =	vshll.u32 v3, $0x3  }
0x43: {  	v3 =	vand.u32 $0x7, v3;
	v4 =	vand.u32 $0xFFFFFFC0, v63  }
0x44: {  	v3 =	vor.u32 v3, v4  }
0x45: {  	v4 =	vperm.xlane v3, v0;
	_ =	sdelay $0x1  }
0x46: {  	v4 =	vadd.s32 v1, v4;
	_ =	sdelay $0x4  }
0x47: {  	[tilespmem:s20], [sflag:$0x2] =	stream.indirect_vreg.gather [hbm4b:s2+s3], $0x80, v4, vm0, $0xb8;
	[tilespmem:$0x12000] =	vst v63  }
0x48: {  	s31 =	simm.s32 $0x6800;
	v3 =	vperm.xlane v3, v2  }
0x49: {  	[tilespmem:s31], [sflag:$0x2] =	stream.indirect_vreg.gather [hbm4b:s5+s3], $0x80, v4, vm0, $0xb8;
	[tilespmem:$0x12000] =	vst v63  }
0x4a: {  	s8 =	simm.s32 $0x7000;
	v3 =	vadd.s32 v1, v3  }
0x4b: {  	[tilespmem:s8], [sflag:$0x2] =	stream.indirect_vreg.gather [hbm4b:s6+s3], $0x80, v4, vm0, $0xb8;
	[tilespmem:$0x12000] =	vst v63  }
0x4c: {  	s31 =	simm.s32 $0x7800  }
0x4d: {  	[tilespmem:s31], [sflag:$0x2] =	stream.indirect_vreg.gather [hbm4b:s7+s3], $0x80, v4, vm0, $0xb8;
	[tilespmem:$0x12000] =	vst v63  }
0x4e: {  	s8 =	simm.s32 $0x8000  }
0x4f: {  	[tilespmem:s8], [sflag:$0x2] =	stream.indirect_vreg.gather [hbm4b:s2+s3], $0x80, v3, vm0, $0xb8;
	[tilespmem:$0x12000] =	vst v63  }
0x50: {  	s31 =	simm.s32 $0x8800  }
0x51: {  	[tilespmem:s31], [sflag:$0x2] =	stream.indirect_vreg.gather [hbm4b:s5+s3], $0x80, v3, vm0, $0xb8;
	[tilespmem:$0x12000] =	vst v63  }
.Ltmp2:
0x52: {  	_ = 	snop;
	(pc) =	sbr.rel .LBB2_2-.Ltmp2, $4  }
0x53: {  	s8 =	simm.s32 $0x9000  }
0x54: {  	[tilespmem:s8], [sflag:$0x2] =	stream.indirect_vreg.gather [hbm4b:s6+s3], $0x80, v3, vm0, $0xb8;
	[tilespmem:$0x12000] =	vst v63  }
0x55: {  	s30 =	simm.s32 $0x0;
	s31 =	simm.s32 $0x9800;
	s8 =	simm.s32 $0x180  }
0x56: {  	[tilespmem:s31], [sflag:$0x2] =	stream.indirect_vreg.gather [hbm4b:s7+s3], $0x80, v3, vm0, $0xb8;
	[tilespmem:$0x12000] =	vst v63  }
.LBB2_4:
0x57: {  	_ =	swait.ge [sflag:s24], $0x4000  }
0x58: {  	[sflag:s24] =	ssyncset.done $0x0  }
0x59: {  	s0 =	rddreg [dreg:$0x5];
	[sflag:s24] =	ssyncadd.s32 $0xFFFFC000  }
0x5a: {  	[hbm4b:s0+s3] =	stream.linear.scatter [tilespmem:s29], [sflag:$0x7], $0x4000, $0x38;
	[tilespmem:$0x12000] =	vst v63  }
.LBB2_5:
0x5b: {  	s30 =	sadd.s32 $0x2000, s30  }
0x5c: {  	p0 =	sne.s32 s30, $0x20000  }
.Ltmp3:
0x5d: {  	_ = 	snop;
	(pc) =	sbr.rel @!p0 .LBB2_6-.Ltmp3, $4  }
0x5e: {  	_ =	swait.ge [sflag:s25], $0x4000  }
0x5f: {  	[sflag:s25] =	ssyncset.done $0x0  }
0x60: {  	s0 =	sadd.s32 $0x1800, s31;
	s8 =	sadd.s32 $0x200, s8;
	[sflag:s25] =	ssyncadd.s32 $0xFFFFC000  }
0x61: {  	[hbm4b:s0+s3] =	stream.linear.scatter [tilespmem:s14], [sflag:$0x8], $0x4000, $0x38;
	[tilespmem:$0x12000] =	vst v63  }
.LBB2_2:
0x62: {  	p0 =	seq.s32 s30, $0x0  }
0x63: {  	s31 =	simm.s32 @!p0 $0x7  }
0x64: {  	_ =	swait.ge @!p0 [sflag:s31], $0x4000  }
0x65: {  	[sflag:s31] =	ssyncset.done @!p0 $0x0  }
0x66: {  	[sflag:s31] =	ssyncadd.s32 @!p0 $0xFFFFC000  }
0x67: {  	v3 =	vld [tilespmem:s8+$0xFFFFFF80];
	_ =	sdelay $0x4  }
0x68: {  	v4 =	vshll.u32 v3, $0x3  }
0x69: {  	v3 =	vand.u32 $0x7, v3;
	v4 =	vand.u32 $0xFFFFFFC0, v4  }
0x6a: {  	v3 =	vor.u32 v3, v4  }
0x6b: {  	v4 =	vperm.xlane v3, v0;
	_ =	sdelay $0x1  }
0x6c: {  	v4 =	vadd.s32 v1, v4;
	_ =	sdelay $0x4  }
0x6d: {  	[tilespmem:s29], [sflag:$0x3] =	stream.indirect_vreg.gather [hbm4b:s2+s3], $0x80, v4, vm0, $0xb8;
	[tilespmem:$0x12000] =	vst v63  }
0x6e: {  	s0 =	simm.s32 $0xA800;
	v3 =	vperm.xlane v3, v2  }
0x6f: {  	[tilespmem:s0], [sflag:$0x3] =	stream.indirect_vreg.gather [hbm4b:s5+s3], $0x80, v4, vm0, $0xb8;
	[tilespmem:$0x12000] =	vst v63  }
0x70: {  	v3 =	vadd.s32 v1, v3;
	s0 =	simm.s32 $0xB000  }
0x71: {  	[tilespmem:s0], [sflag:$0x3] =	stream.indirect_vreg.gather [hbm4b:s6+s3], $0x80, v4, vm0, $0xb8;
	[tilespmem:$0x12000] =	vst v63  }
0x72: {  	s0 =	simm.s32 $0xB800  }
0x73: {  	[tilespmem:s0], [sflag:$0x3] =	stream.indirect_vreg.gather [hbm4b:s7+s3], $0x80, v4, vm0, $0xb8;
	[tilespmem:$0x12000] =	vst v63  }
0x74: {  	_ = 	snop  }
0x75: {  	[tilespmem:s1], [sflag:$0x3] =	stream.indirect_vreg.gather [hbm4b:s2+s3], $0x80, v3, vm0, $0xb8;
	[tilespmem:$0x12000] =	vst v63  }
0x76: {  	_ = 	snop  }
0x77: {  	[tilespmem:s4], [sflag:$0x3] =	stream.indirect_vreg.gather [hbm4b:s5+s3], $0x80, v3, vm0, $0xb8;
	[tilespmem:$0x12000] =	vst v63  }
0x78: {  	_ = 	snop  }
0x79: {  	[tilespmem:s9], [sflag:$0x3] =	stream.indirect_vreg.gather [hbm4b:s6+s3], $0x80, v3, vm0, $0xb8;
	[tilespmem:$0x12000] =	vst v63  }
0x7a: {  	_ = 	snop  }
0x7b: {  	[tilespmem:s11], [sflag:$0x3] =	stream.indirect_vreg.gather [hbm4b:s7+s3], $0x80, v3, vm0, $0xb8;
	[tilespmem:$0x12000] =	vst v63  }
0x7c: {  	_ =	swait.ge [sflag:s13], $0x4000  }
0x7d: {  	[sflag:s13] =	ssyncset.done $0x0  }
0x7e: {  	s31 =	sadd.s32 s30, s10;
	s0 =	simm.s32 @!p0 $0x8;
	[sflag:s13] =	ssyncadd.s32 $0xFFFFC000  }
0x7f: {  	[hbm4b:s31+s3] =	stream.linear.scatter [tilespmem:s12], [sflag:$0x5], $0x4000, $0x38;
	[tilespmem:$0x12000] =	vst v63  }
0x80: {  	_ =	swait.ge @!p0 [sflag:s0], $0x4000  }
0x81: {  	[sflag:s0] =	ssyncset.done @!p0 $0x0  }
0x82: {  	[sflag:s0] =	ssyncadd.s32 @!p0 $0xFFFFC000  }
0x83: {  	v3 =	vld [tilespmem:s8+$0x0];
	_ =	sdelay $0x4  }
0x84: {  	v63 =	vshll.u32 v3, $0x3  }
0x85: {  	v3 =	vand.u32 $0x7, v3;
	v4 =	vand.u32 $0xFFFFFFC0, v63  }
0x86: {  	v3 =	vor.u32 v3, v4  }
0x87: {  	v4 =	vperm.xlane v3, v0;
	_ =	sdelay $0x1  }
0x88: {  	v4 =	vadd.s32 v1, v4;
	_ =	sdelay $0x4  }
0x89: {  	[tilespmem:s14], [sflag:$0x4] =	stream.indirect_vreg.gather [hbm4b:s2+s3], $0x80, v4, vm0, $0xb8;
	[tilespmem:$0x12000] =	vst v63  }
0x8a: {  	v3 =	vperm.xlane v3, v2  }
0x8b: {  	[tilespmem:s15], [sflag:$0x4] =	stream.indirect_vreg.gather [hbm4b:s5+s3], $0x80, v4, vm0, $0xb8;
	[tilespmem:$0x12000] =	vst v63  }
0x8c: {  	v3 =	vadd.s32 v1, v3  }
0x8d: {  	[tilespmem:s16], [sflag:$0x4] =	stream.indirect_vreg.gather [hbm4b:s6+s3], $0x80, v4, vm0, $0xb8;
	[tilespmem:$0x12000] =	vst v63  }
0x8e: {  	_ = 	snop  }
0x8f: {  	[tilespmem:s17], [sflag:$0x4] =	stream.indirect_vreg.gather [hbm4b:s7+s3], $0x80, v4, vm0, $0xb8;
	[tilespmem:$0x12000] =	vst v63  }
0x90: {  	_ = 	snop  }
0x91: {  	[tilespmem:s18], [sflag:$0x4] =	stream.indirect_vreg.gather [hbm4b:s2+s3], $0x80, v3, vm0, $0xb8;
	[tilespmem:$0x12000] =	vst v63  }
0x92: {  	_ = 	snop  }
0x93: {  	[tilespmem:s19], [sflag:$0x4] =	stream.indirect_vreg.gather [hbm4b:s5+s3], $0x80, v3, vm0, $0xb8;
	[tilespmem:$0x12000] =	vst v63  }
0x94: {  	_ = 	snop  }
0x95: {  	[tilespmem:s21], [sflag:$0x4] =	stream.indirect_vreg.gather [hbm4b:s6+s3], $0x80, v3, vm0, $0xb8;
	[tilespmem:$0x12000] =	vst v63  }
0x96: {  	p0 =	seq.s32 s30, $0x1E000  }
0x97: {  	[tilespmem:s22], [sflag:$0x4] =	stream.indirect_vreg.gather [hbm4b:s7+s3], $0x80, v3, vm0, $0xb8;
	[tilespmem:$0x12000] =	vst v63  }
.Ltmp4:
0x98: {  	_ = 	snop;
	(pc) =	sbr.rel @p0 .LBB2_4-.Ltmp4, $4  }
0x99: {  	_ =	swait.ge [sflag:s23], $0x4000  }
0x9a: {  	[sflag:s23] =	ssyncset.done $0x0  }
0x9b: {  	s0 =	sadd.s32 $0x800, s31;
	[sflag:s23] =	ssyncadd.s32 $0xFFFFC000  }
0x9c: {  	[hbm4b:s0+s3] =	stream.linear.scatter [tilespmem:s20], [sflag:$0x6], $0x4000, $0x38;
	[tilespmem:$0x12000] =	vst v63  }
0x9d: {  	_ =	swait.ge [sflag:s26], $0x4000  }
0x9e: {  	[sflag:s26] =	ssyncset.done $0x0  }
0x9f: {  	[sflag:s26] =	ssyncadd.s32 $0xFFFFC000  }
0xa0: {  	v3 =	vld [tilespmem:s8+$0x80];
	_ =	sdelay $0x4  }
0xa1: {  	v4 =	vshll.u32 v3, $0x3  }
0xa2: {  	v3 =	vand.u32 $0x7, v3;
	v4 =	vand.u32 $0xFFFFFFC0, v4  }
0xa3: {  	v3 =	vor.u32 v3, v4  }
0xa4: {  	v4 =	vperm.xlane v3, v0;
	_ =	sdelay $0x1  }
0xa5: {  	v4 =	vadd.s32 v1, v4;
	_ =	sdelay $0x4  }
0xa6: {  	[tilespmem:s12], [sflag:$0x1] =	stream.indirect_vreg.gather [hbm4b:s2+s3], $0x80, v4, vm0, $0xb8;
	[tilespmem:$0x12000] =	vst v63  }
0xa7: {  	s0 =	simm.s32 $0x2800;
	v3 =	vperm.xlane v3, v2  }
0xa8: {  	[tilespmem:s0], [sflag:$0x1] =	stream.indirect_vreg.gather [hbm4b:s5+s3], $0x80, v4, vm0, $0xb8;
	[tilespmem:$0x12000] =	vst v63  }
0xa9: {  	v3 =	vadd.s32 v1, v3;
	s0 =	simm.s32 $0x3000  }
0xaa: {  	[tilespmem:s0], [sflag:$0x1] =	stream.indirect_vreg.gather [hbm4b:s6+s3], $0x80, v4, vm0, $0xb8;
	[tilespmem:$0x12000] =	vst v63  }
0xab: {  	s0 =	simm.s32 $0x3800  }
0xac: {  	[tilespmem:s0], [sflag:$0x1] =	stream.indirect_vreg.gather [hbm4b:s7+s3], $0x80, v4, vm0, $0xb8;
	[tilespmem:$0x12000] =	vst v63  }
0xad: {  	s0 =	simm.s32 $0x4000  }
0xae: {  	[tilespmem:s0], [sflag:$0x1] =	stream.indirect_vreg.gather [hbm4b:s2+s3], $0x80, v3, vm0, $0xb8;
	[tilespmem:$0x12000] =	vst v63  }
0xaf: {  	s0 =	simm.s32 $0x4800  }
0xb0: {  	[tilespmem:s0], [sflag:$0x1] =	stream.indirect_vreg.gather [hbm4b:s5+s3], $0x80, v3, vm0, $0xb8;
	[tilespmem:$0x12000] =	vst v63  }
0xb1: {  	s0 =	simm.s32 $0x5000  }
0xb2: {  	[tilespmem:s0], [sflag:$0x1] =	stream.indirect_vreg.gather [hbm4b:s6+s3], $0x80, v3, vm0, $0xb8;
	[tilespmem:$0x12000] =	vst v63  }
0xb3: {  	s0 =	simm.s32 $0x5800  }
0xb4: {  	[tilespmem:s0], [sflag:$0x1] =	stream.indirect_vreg.gather [hbm4b:s7+s3], $0x80, v3, vm0, $0xb8;
	[tilespmem:$0x12000] =	vst v63  }
0xb5: {  	_ =	swait.ge [sflag:s24], $0x4000  }
0xb6: {  	[sflag:s24] =	ssyncset.done $0x0  }
0xb7: {  	s0 =	sadd.s32 $0x1000, s31;
	[sflag:s24] =	ssyncadd.s32 $0xFFFFC000  }
0xb8: {  	[hbm4b:s0+s3] =	stream.linear.scatter [tilespmem:s29], [sflag:$0x7], $0x4000, $0x38;
	[tilespmem:$0x12000] =	vst v63  }
0xb9: {  	_ =	swait.ge [sflag:s28], $0x4000  }
0xba: {  	[sflag:s28] =	ssyncset.done $0x0  }
0xbb: {  	[sflag:s28] =	ssyncadd.s32 $0xFFFFC000  }
0xbc: {  	v3 =	vld [tilespmem:s8+$0x100];
	_ =	sdelay $0x4  }
0xbd: {  	v63 =	vshll.u32 v3, $0x3  }
0xbe: {  	v3 =	vand.u32 $0x7, v3;
	v4 =	vand.u32 $0xFFFFFFC0, v63  }
0xbf: {  	v3 =	vor.u32 v3, v4  }
0xc0: {  	v4 =	vperm.xlane v3, v0;
	_ =	sdelay $0x1  }
0xc1: {  	v4 =	vadd.s32 v1, v4;
	_ =	sdelay $0x4  }
0xc2: {  	[tilespmem:s20], [sflag:$0x2] =	stream.indirect_vreg.gather [hbm4b:s2+s3], $0x80, v4, vm0, $0xb8;
	[tilespmem:$0x12000] =	vst v63  }
0xc3: {  	s0 =	simm.s32 $0x6800;
	v3 =	vperm.xlane v3, v2  }
0xc4: {  	[tilespmem:s0], [sflag:$0x2] =	stream.indirect_vreg.gather [hbm4b:s5+s3], $0x80, v4, vm0, $0xb8;
	[tilespmem:$0x12000] =	vst v63  }
0xc5: {  	v3 =	vadd.s32 v1, v3;
	s0 =	simm.s32 $0x7000  }
0xc6: {  	[tilespmem:s0], [sflag:$0x2] =	stream.indirect_vreg.gather [hbm4b:s6+s3], $0x80, v4, vm0, $0xb8;
	[tilespmem:$0x12000] =	vst v63  }
0xc7: {  	s0 =	simm.s32 $0x7800  }
0xc8: {  	[tilespmem:s0], [sflag:$0x2] =	stream.indirect_vreg.gather [hbm4b:s7+s3], $0x80, v4, vm0, $0xb8;
	[tilespmem:$0x12000] =	vst v63  }
0xc9: {  	s0 =	simm.s32 $0x8000  }
0xca: {  	[tilespmem:s0], [sflag:$0x2] =	stream.indirect_vreg.gather [hbm4b:s2+s3], $0x80, v3, vm0, $0xb8;
	[tilespmem:$0x12000] =	vst v63  }
0xcb: {  	s0 =	simm.s32 $0x8800  }
0xcc: {  	[tilespmem:s0], [sflag:$0x2] =	stream.indirect_vreg.gather [hbm4b:s5+s3], $0x80, v3, vm0, $0xb8;
	[tilespmem:$0x12000] =	vst v63  }
.Ltmp5:
0xcd: {  	_ = 	snop;
	(pc) =	sbr.rel .LBB2_5-.Ltmp5, $4  }
0xce: {  	s0 =	simm.s32 $0x9000  }
0xcf: {  	[tilespmem:s0], [sflag:$0x2] =	stream.indirect_vreg.gather [hbm4b:s6+s3], $0x80, v3, vm0, $0xb8;
	[tilespmem:$0x12000] =	vst v63  }
0xd0: {  	s0 =	simm.s32 $0x9800  }
0xd1: {  	[tilespmem:s0], [sflag:$0x2] =	stream.indirect_vreg.gather [hbm4b:s7+s3], $0x80, v3, vm0, $0xb8;
	[tilespmem:$0x12000] =	vst v63  }
.LBB2_7:
0xd2: {  	_ =	sfence.sel $0x180000  }
0xd3: {  	[bflag:$0x0] =	sbarrier.arrive $0xFFFF  }
0xd4: {  	_ =	strace $0x90000047  }
0xd5: {  	s0 =	stileid.u32;
	[bflag:$0x2] =	sbarrier.arrive $0xFFFF  }
0xd6: {  	p0 =	sne.s32 s0, $0x0;
	s0 =	rddreg [dreg:$0x3]  }
0xd7: {  	s0 =	sadd.s32 @!p0 $0x100000, s0  }
0xd8: {  	[sflag:s0] =	ssyncadd.tile.s32 @!p0 $0x1;
	_ =	shalt  }
.Lfunc_end2:
_tile_overlayer_lowered:
.L_overlay_start_2:
0xd9: {  	(tag) =	ssettag $0x2  }
0xda: {  	s0 =	rddreg [dreg:$0x0];
	s2 =	stileid.u32  }
0xdb: {  	s1 =	rddreg [dreg:$0x1];
	p0 =	sne.s32 s2, $0x0  }
0xdc: {  	s3 =	rddreg [dreg:$0x2];
	[bflag:$0x3] =	sbarrier.arrive $0xFFFF;
	s2 =	simm.s32 @!p0 $0x1C09  }
0xdd: {  	[timem:s3], [sflag:s2] =	dma.local @!p0 [hbm:s0], s1  }
0xde: {  	s0 =	simm.s32 @!p0 $0x9  }
0xdf: {  	_ =	swait.ge @!p0 [sflag:s0], s1  }
0xe0: {  	s1 =	ssub.s32 @!p0 $0x0, s1;
	[sflag:s0] =	ssyncset.done @!p0 $0x0  }
0xe1: {  	[sflag:s0] =	ssyncadd.s32 @!p0 s1  }
0xe2: {  	[bflag:$0x3] =	sbarrier.arrive $0xFFFF  }
0xe3: {  	_ =	shalt  }

</sc_bundles>
